<compile_context>
chip_gen: v7x
topology: tpu7x:2x2x1
jax: 0.10.2.dev20260603
libtpu: 0.0.44.dev20260713+nightly
codegen_flags: <defaults>
</compile_context>

<pallas_src>
import functools

import jax
import jax.numpy as jnp
from jax import lax
from jax.experimental import pallas as pl
from jax.experimental.pallas import tpu as pltpu
from jax.experimental.pallas import tpu_sc as plsc

NAME_NUM = 1000000
SUBJECT_NUM = 128
MAX_LEN = 200
FACTOR_NUM = 64
BATCH = 16384
_SQ = 128

_INFO = plsc.get_sparse_core_info()
_NC = _INFO.num_cores
_NS = _INFO.num_subcores
_NW = _NC * _NS
_BPW = BATCH // _NW
_G = 16
_NG = _BPW // _G


def _k0_body(subj_ref, sw_ref, w_ref, b_ref, out_ref):
    pt = lax.dot_general(
        sw_ref[...], w_ref[...],
        dimension_numbers=(((1,), (1,)), ((), ())),
        preferred_element_type=jnp.float32,
    ) + b_ref[...]
    iota = lax.broadcasted_iota(jnp.int32, (MAX_LEN, BATCH), 0)
    oh = (subj_ref[...] == iota).astype(jnp.float32)
    out_ref[...] = lax.dot_general(
        pt, oh,
        dimension_numbers=(((0,), (0,)), ((), ())),
        preferred_element_type=jnp.float32,
    )


_k0_call = pl.pallas_call(
    _k0_body,
    out_shape=jax.ShapeDtypeStruct((FACTOR_NUM, BATCH), jnp.float32),
)


_mesh = plsc.VectorSubcoreMesh(core_axis_name="c", subcore_axis_name="s")


@functools.partial(
    pl.kernel,
    mesh=_mesh,
    compiler_params=pltpu.CompilerParams(use_tc_tiling_on_sc=False),
    out_type=jax.ShapeDtypeStruct((BATCH,), jnp.float32),
    scratch_types=[
        pltpu.VMEM((_BPW,), jnp.int32),
        pltpu.VMEM((FACTOR_NUM * _BPW,), jnp.int32),
        pltpu.VMEM((FACTOR_NUM * _BPW,), jnp.float32),
        pltpu.VMEM((FACTOR_NUM, _BPW), jnp.float32),
        pltpu.VMEM((_BPW,), jnp.float32),
        pltpu.SemaphoreType.DMA,
        pltpu.SemaphoreType.DMA,
    ],
)
def _sc_dot(name_hbm, pt_hbm, table_hbm, out_hbm,
            nidx_v, widx_v, gath_v, ptv, out_v, gsem, psem):
    wid = lax.axis_index("s") * _NC + lax.axis_index("c")
    base = wid * _BPW
    pltpu.sync_copy(name_hbm.at[pl.ds(base, _BPW)], nidx_v)
    cp_pt = pltpu.async_copy(pt_hbm.at[:, pl.ds(base, _BPW)], ptv, psem)

    def build(g, carry):
        ids = nidx_v[pl.ds(g * _G, _G)]
        for d in range(FACTOR_NUM):
            widx_v[pl.ds(d * _BPW + g * _G, _G)] = ids + d * NAME_NUM
        return carry

    lax.fori_loop(0, _NG, build, 0)
    pltpu.async_copy(table_hbm.at[widx_v], gath_v, gsem).wait()
    cp_pt.wait()

    def dot(g, carry):
        acc = jnp.zeros((16,), jnp.float32)
        for d in range(FACTOR_NUM):
            a = gath_v[pl.ds(d * _BPW + g * _G, _G)]
            p = ptv[d, pl.ds(g * _G, _G)]
            acc = acc + a * p
        out_v[pl.ds(g * _G, _G)] = acc
        return carry

    lax.fori_loop(0, _NG, dot, 0)
    pltpu.sync_copy(out_v, out_hbm.at[pl.ds(base, _BPW)])


def _p3_body(l_ref, out_ref):
    logits = l_ref[...]
    m = jnp.max(logits)
    e = jnp.exp(logits - m)
    out_ref[...] = e / jnp.sum(e)


_p3_call = pl.pallas_call(
    _p3_body,
    out_shape=jax.ShapeDtypeStruct((_SQ, _SQ), jnp.float32),
)


def kernel(subject, name, idx, embed_name_w, embed_subject_w, W, b):
    pt = _k0_call(subject.reshape(1, BATCH), embed_subject_w, W,
                  b.reshape(1, FACTOR_NUM))
    table_flat = embed_name_w.T.reshape(FACTOR_NUM * NAME_NUM)
    logits = _sc_dot(name, pt, table_flat)
    out = _p3_call(logits.reshape(_SQ, _SQ))
    return out.reshape(BATCH)

# --- scband reference (transcript-rebuilt; emitter-appended) ---
"""Pipeline reference for scband-base-26843545600065 (READ-ONLY COPY).

The authoritative reference and input builder live on the scoring server;
editing this copy changes nothing except your own understanding.
"""

import jax, jax.numpy as jnp
import numpy as np

NAME_NUM = 1000000
SUBJECT_NUM = 128
MAX_LEN = 200
FACTOR_NUM = 64
BATCH = 16384


def setup_inputs(seed: int = 0) -> dict:
    key = jax.random.key(seed)
    k1, k2, k3, k4, k5, k6 = jax.random.split(key, 6)
    subject = jax.random.randint(k1, (BATCH,), 0, MAX_LEN, dtype=jnp.int64 if jax.config.jax_enable_x64 else jnp.int32).astype(jnp.int32)
    name = jax.random.randint(k2, (BATCH,), 0, NAME_NUM).astype(jnp.int32)
    idx = jax.random.randint(k3, (BATCH,), 0, NAME_NUM).astype(jnp.int32)
    embed_name_w = jax.random.normal(k4, (NAME_NUM, FACTOR_NUM), dtype=jnp.float32) * 0.01
    embed_subject_w = jax.random.normal(k5, (MAX_LEN, SUBJECT_NUM), dtype=jnp.float32) * 0.01
    bound = 1.0 / np.sqrt(SUBJECT_NUM)
    W = jax.random.uniform(k6, (FACTOR_NUM, SUBJECT_NUM), dtype=jnp.float32, minval=-bound, maxval=bound)
    b = jax.random.uniform(jax.random.fold_in(k6, 1), (FACTOR_NUM,), dtype=jnp.float32, minval=-bound, maxval=bound)
    return {"subject": subject, "name": name, "idx": idx,
            "embed_name_w": embed_name_w, "embed_subject_w": embed_subject_w,
            "W": W, "b": b}


def reference(subject, name, idx, embed_name_w, embed_subject_w, W, b):
    # name embedding lookup: [B, factor_num]
    name_e = jnp.take(embed_name_w, name, axis=0)
    # subject embedding lookup: [B, subject_num]
    subject_e = jnp.take(embed_subject_w, subject, axis=0)
    # linear projection to factor_num
    subject_p = subject_e @ W.T + b
    # dot product per row -> [B]
    prediction_i = jnp.sum(name_e * subject_p, axis=-1)
    # torch nn.Softmax() with dim=None on a 1-D tensor applies softmax over dim 0
    prediction_i = jax.nn.softmax(prediction_i, axis=0)
    return prediction_i

if __name__ == "__main__":
    import jax
    _d = setup_inputs()
    print(jax.jit(kernel)(*tuple(_d.values())))

</pallas_src>

<mosaic_0001>
#map = affine_map<(d0, d1) -> (0)>
#map1 = affine_map<(d0, d1) -> (0, 0)>
module attributes {stable_mosaic.version = 14 : i64} {
  func.func @_sc_dot(%arg0: i32, %arg1: i32, %arg2: memref<16384xi32, #tpu.memory_space<hbm>>, %arg3: memref<64x16384xf32, #tpu.memory_space<hbm>>, %arg4: memref<64000000xf32, #tpu.memory_space<hbm>>, %arg5: memref<16384xf32, #tpu.memory_space<hbm>>, %arg6: memref<512xi32, #tpu.memory_space<vmem>>, %arg7: memref<32768xi32, #tpu.memory_space<vmem>>, %arg8: memref<32768xf32, #tpu.memory_space<vmem>>, %arg9: memref<64x512xf32, #tpu.memory_space<vmem>>, %arg10: memref<512xf32, #tpu.memory_space<vmem>>, %arg11: memref<!tpu.dma_semaphore, #tpu.memory_space<semaphore_mem>>, %arg12: memref<!tpu.dma_semaphore, #tpu.memory_space<semaphore_mem>>) attributes {dimension_semantics = [#tpu.dimension_semantics<core_parallel>, #tpu.dimension_semantics<subcore_parallel>], iteration_bounds = array<i64: 2, 16>, scalar_prefetch = 0 : i64, scratch_operands = 7 : i64, tpu.core_type = #tpu.core_type<sc_vector_subcore>, window_params = [{transform_indices = #map}, {transform_indices = #map1}, {transform_indices = #map}, {transform_indices = #map}]} {
    %mul3A = arith.constant 2 : i32
    %mul3A_0 = arith.muli %arg1, %mul3A : i32
    %add3A = arith.addi %mul3A_0, %arg0 : i32
    %mul3A_1 = arith.constant 512 : i32
    %mul3A_2 = arith.muli %add3A, %mul3A_1 : i32
    "tpu.region"() ({
      %run_scoped3A = tpu.sem_alloc : memref<!tpu.dma_semaphore, #tpu.memory_space<semaphore_mem>>
      %dma_start3A_24 = tpu.memref_slice %arg2[%mul3A_2] : memref<16384xi32, #tpu.memory_space<hbm>> -> memref<512xi32, #tpu.memory_space<hbm>>
      %dma_start3A_25 = tpu.memref_slice %arg2[%mul3A_2] : memref<16384xi32, #tpu.memory_space<hbm>> -> memref<512xi32, #tpu.memory_space<hbm>>
      tpu.enqueue_dma source(%dma_start3A_25 : memref<512xi32, #tpu.memory_space<hbm>>) target(%arg6 : memref<512xi32, #tpu.memory_space<vmem>>) target_semaphore(%run_scoped3A : memref<!tpu.dma_semaphore, #tpu.memory_space<semaphore_mem>>)
      %dma_wait3A_26 = tpu.memref_slice %arg2[%mul3A_2] : memref<16384xi32, #tpu.memory_space<hbm>> -> memref<512xi32, #tpu.memory_space<hbm>>
      %dma_wait3A_27 = tpu.memref_slice %arg2[%mul3A_2] : memref<16384xi32, #tpu.memory_space<hbm>> -> memref<512xi32, #tpu.memory_space<hbm>>
      tpu.wait_dma2 semaphore(%run_scoped3A : memref<!tpu.dma_semaphore, #tpu.memory_space<semaphore_mem>>) src(%dma_wait3A_27 : memref<512xi32, #tpu.memory_space<hbm>>) dst(%arg6 : memref<512xi32, #tpu.memory_space<vmem>>)
      tpu.yield
    }) : () -> ()
    %dma_start3A = arith.constant 0 : i32
    %dma_start3A_3 = tpu.memref_slice %arg3[%dma_start3A, %mul3A_2] : memref<64x16384xf32, #tpu.memory_space<hbm>> -> memref<64x512xf32, #tpu.memory_space<hbm>>
    %dma_start3A_4 = arith.constant 0 : i32
    %dma_start3A_5 = tpu.memref_slice %arg3[%dma_start3A_4, %mul3A_2] : memref<64x16384xf32, #tpu.memory_space<hbm>> -> memref<64x512xf32, #tpu.memory_space<hbm>>
    tpu.enqueue_dma source(%dma_start3A_5 : memref<64x512xf32, #tpu.memory_space<hbm>>) target(%arg9 : memref<64x512xf32, #tpu.memory_space<vmem>>) target_semaphore(%arg12 : memref<!tpu.dma_semaphore, #tpu.memory_space<semaphore_mem>>)
    %scan3A = arith.constant 0 : i32
    %scan3A_6 = arith.constant 0 : i32
    %scan3A_7 = arith.constant 32 : i32
    %scan3A_8 = arith.addi %scan3A_6, %scan3A_7 : i32
    %scan3A_9 = arith.constant 1 : i32
    scf.for %scan3A_24 = %scan3A_6 to %scan3A_8 step %scan3A_9  : i32 {
      %mul3A_25 = arith.constant 16 : i32
      %mul3A_26 = arith.muli %scan3A_24, %mul3A_25 : i32
      %get3A = arith.index_cast %mul3A_26 : i32 to index
      %get3A_27 = tpu.vector_load %arg6[%get3A] {strides = array<i32>} : memref<512xi32, #tpu.memory_space<vmem>>, vector<16xi32>,
      %get3A_28 = vector.shape_cast %get3A_27 : vector<16xi32> to vector<16xi32>
      %add3A_29 = arith.constant 0 : i32
      %add3A_30 = vector.broadcast %add3A_29 : i32 to vector<16xi32>
      %add3A_31 = arith.addi %get3A_28, %add3A_30 : vector<16xi32>
      %mul3A_32 = arith.constant 16 : i32
      %mul3A_33 = arith.muli %scan3A_24, %mul3A_32 : i32
      %add3A_34 = arith.constant 0 : i32
      %add3A_35 = arith.addi %add3A_34, %mul3A_33 : i32
      %swap3A = arith.index_cast %add3A_35 : i32 to index
      %swap3A_36 = tpu.vector_load %arg7[%swap3A] {strides = array<i32>} : memref<32768xi32, #tpu.memory_space<vmem>>, vector<16xi32>,
      %swap3A_37 = vector.shape_cast %swap3A_36 : vector<16xi32> to vector<16xi32>
      %swap3A_38 = vector.shape_cast %add3A_31 : vector<16xi32> to vector<16xi32>
      tpu.vector_store %arg7[%swap3A], %swap3A_38 {strides = array<i32>} : memref<32768xi32, #tpu.memory_space<vmem>>, vector<16xi32>,
      %add3A_39 = arith.constant 1000000 : i32
      %add3A_40 = vector.broadcast %add3A_39 : i32 to vector<16xi32>
      %add3A_41 = arith.addi %get3A_28, %add3A_40 : vector<16xi32>
      %mul3A_42 = arith.constant 16 : i32
      %mul3A_43 = arith.muli %scan3A_24, %mul3A_42 : i32
      %add3A_44 = arith.constant 512 : i32
      %add3A_45 = arith.addi %add3A_44, %mul3A_43 : i32
      %swap3A_46 = arith.index_cast %add3A_45 : i32 to index
      %swap3A_47 = tpu.vector_load %arg7[%swap3A_46] {strides = array<i32>} : memref<32768xi32, #tpu.memory_space<vmem>>, vector<16xi32>,
      %swap3A_48 = vector.shape_cast %swap3A_47 : vector<16xi32> to vector<16xi32>
      %swap3A_49 = vector.shape_cast %add3A_41 : vector<16xi32> to vector<16xi32>
      tpu.vector_store %arg7[%swap3A_46], %swap3A_49 {strides = array<i32>} : memref<32768xi32, #tpu.memory_space<vmem>>, vector<16xi32>,
      %add3A_50 = arith.constant 2000000 : i32
      %add3A_51 = vector.broadcast %add3A_50 : i32 to vector<16xi32>
      %add3A_52 = arith.addi %get3A_28, %add3A_51 : vector<16xi32>
      %mul3A_53 = arith.constant 16 : i32
      %mul3A_54 = arith.muli %scan3A_24, %mul3A_53 : i32
      %add3A_55 = arith.constant 1024 : i32
      %add3A_56 = arith.addi %add3A_55, %mul3A_54 : i32
      %swap3A_57 = arith.index_cast %add3A_56 : i32 to index
      %swap3A_58 = tpu.vector_load %arg7[%swap3A_57] {strides = array<i32>} : memref<32768xi32, #tpu.memory_space<vmem>>, vector<16xi32>,
      %swap3A_59 = vector.shape_cast %swap3A_58 : vector<16xi32> to vector<16xi32>
      %swap3A_60 = vector.shape_cast %add3A_52 : vector<16xi32> to vector<16xi32>
      tpu.vector_store %arg7[%swap3A_57], %swap3A_60 {strides = array<i32>} : memref<32768xi32, #tpu.memory_space<vmem>>, vector<16xi32>,
      %add3A_61 = arith.constant 3000000 : i32
      %add3A_62 = vector.broadcast %add3A_61 : i32 to vector<16xi32>
      %add3A_63 = arith.addi %get3A_28, %add3A_62 : vector<16xi32>
      %mul3A_64 = arith.constant 16 : i32
      %mul3A_65 = arith.muli %scan3A_24, %mul3A_64 : i32
      %add3A_66 = arith.constant 1536 : i32
      %add3A_67 = arith.addi %add3A_66, %mul3A_65 : i32
      %swap3A_68 = arith.index_cast %add3A_67 : i32 to index
      %swap3A_69 = tpu.vector_load %arg7[%swap3A_68] {strides = array<i32>} : memref<32768xi32, #tpu.memory_space<vmem>>, vector<16xi32>,
      %swap3A_70 = vector.shape_cast %swap3A_69 : vector<16xi32> to vector<16xi32>
      %swap3A_71 = vector.shape_cast %add3A_63 : vector<16xi32> to vector<16xi32>
      tpu.vector_store %arg7[%swap3A_68], %swap3A_71 {strides = array<i32>} : memref<32768xi32, #tpu.memory_space<vmem>>, vector<16xi32>,
      %add3A_72 = arith.constant 4000000 : i32
      %add3A_73 = vector.broadcast %add3A_72 : i32 to vector<16xi32>
      %add3A_74 = arith.addi %get3A_28, %add3A_73 : vector<16xi32>
      %mul3A_75 = arith.constant 16 : i32
      %mul3A_76 = arith.muli %scan3A_24, %mul3A_75 : i32
      %add3A_77 = arith.constant 2048 : i32
      %add3A_78 = arith.addi %add3A_77, %mul3A_76 : i32
      %swap3A_79 = arith.index_cast %add3A_78 : i32 to index
      %swap3A_80 = tpu.vector_load %arg7[%swap3A_79] {strides = array<i32>} : memref<32768xi32, #tpu.memory_space<vmem>>, vector<16xi32>,
      %swap3A_81 = vector.shape_cast %swap3A_80 : vector<16xi32> to vector<16xi32>
      %swap3A_82 = vector.shape_cast %add3A_74 : vector<16xi32> to vector<16xi32>
      tpu.vector_store %arg7[%swap3A_79], %swap3A_82 {strides = array<i32>} : memref<32768xi32, #tpu.memory_space<vmem>>, vector<16xi32>,
      %add3A_83 = arith.constant 5000000 : i32
      %add3A_84 = vector.broadcast %add3A_83 : i32 to vector<16xi32>
      %add3A_85 = arith.addi %get3A_28, %add3A_84 : vector<16xi32>
      %mul3A_86 = arith.constant 16 : i32
      %mul3A_87 = arith.muli %scan3A_24, %mul3A_86 : i32
      %add3A_88 = arith.constant 2560 : i32
      %add3A_89 = arith.addi %add3A_88, %mul3A_87 : i32
      %swap3A_90 = arith.index_cast %add3A_89 : i32 to index
      %swap3A_91 = tpu.vector_load %arg7[%swap3A_90] {strides = array<i32>} : memref<32768xi32, #tpu.memory_space<vmem>>, vector<16xi32>,
      %swap3A_92 = vector.shape_cast %swap3A_91 : vector<16xi32> to vector<16xi32>
      %swap3A_93 = vector.shape_cast %add3A_85 : vector<16xi32> to vector<16xi32>
      tpu.vector_store %arg7[%swap3A_90], %swap3A_93 {strides = array<i32>} : memref<32768xi32, #tpu.memory_space<vmem>>, vector<16xi32>,
      %add3A_94 = arith.constant 6000000 : i32
      %add3A_95 = vector.broadcast %add3A_94 : i32 to vector<16xi32>
      %add3A_96 = arith.addi %get3A_28, %add3A_95 : vector<16xi32>
      %mul3A_97 = arith.constant 16 : i32
      %mul3A_98 = arith.muli %scan3A_24, %mul3A_97 : i32
      %add3A_99 = arith.constant 3072 : i32
      %add3A_100 = arith.addi %add3A_99, %mul3A_98 : i32
      %swap3A_101 = arith.index_cast %add3A_100 : i32 to index
      %swap3A_102 = tpu.vector_load %arg7[%swap3A_101] {strides = array<i32>} : memref<32768xi32, #tpu.memory_space<vmem>>, vector<16xi32>,
      %swap3A_103 = vector.shape_cast %swap3A_102 : vector<16xi32> to vector<16xi32>
      %swap3A_104 = vector.shape_cast %add3A_96 : vector<16xi32> to vector<16xi32>
      tpu.vector_store %arg7[%swap3A_101], %swap3A_104 {strides = array<i32>} : memref<32768xi32, #tpu.memory_space<vmem>>, vector<16xi32>,
      %add3A_105 = arith.constant 7000000 : i32
      %add3A_106 = vector.broadcast %add3A_105 : i32 to vector<16xi32>
      %add3A_107 = arith.addi %get3A_28, %add3A_106 : vector<16xi32>
      %mul3A_108 = arith.constant 16 : i32
      %mul3A_109 = arith.muli %scan3A_24, %mul3A_108 : i32
      %add3A_110 = arith.constant 3584 : i32
      %add3A_111 = arith.addi %add3A_110, %mul3A_109 : i32
      %swap3A_112 = arith.index_cast %add3A_111 : i32 to index
      %swap3A_113 = tpu.vector_load %arg7[%swap3A_112] {strides = array<i32>} : memref<32768xi32, #tpu.memory_space<vmem>>, vector<16xi32>,
      %swap3A_114 = vector.shape_cast %swap3A_113 : vector<16xi32> to vector<16xi32>
      %swap3A_115 = vector.shape_cast %add3A_107 : vector<16xi32> to vector<16xi32>
      tpu.vector_store %arg7[%swap3A_112], %swap3A_115 {strides = array<i32>} : memref<32768xi32, #tpu.memory_space<vmem>>, vector<16xi32>,
      %add3A_116 = arith.constant 8000000 : i32
      %add3A_117 = vector.broadcast %add3A_116 : i32 to vector<16xi32>
      %add3A_118 = arith.addi %get3A_28, %add3A_117 : vector<16xi32>
      %mul3A_119 = arith.constant 16 : i32
      %mul3A_120 = arith.muli %scan3A_24, %mul3A_119 : i32
      %add3A_121 = arith.constant 4096 : i32
      %add3A_122 = arith.addi %add3A_121, %mul3A_120 : i32
      %swap3A_123 = arith.index_cast %add3A_122 : i32 to index
      %swap3A_124 = tpu.vector_load %arg7[%swap3A_123] {strides = array<i32>} : memref<32768xi32, #tpu.memory_space<vmem>>, vector<16xi32>,
      %swap3A_125 = vector.shape_cast %swap3A_124 : vector<16xi32> to vector<16xi32>
      %swap3A_126 = vector.shape_cast %add3A_118 : vector<16xi32> to vector<16xi32>
      tpu.vector_store %arg7[%swap3A_123], %swap3A_126 {strides = array<i32>} : memref<32768xi32, #tpu.memory_space<vmem>>, vector<16xi32>,
      %add3A_127 = arith.constant 9000000 : i32
      %add3A_128 = vector.broadcast %add3A_127 : i32 to vector<16xi32>
      %add3A_129 = arith.addi %get3A_28, %add3A_128 : vector<16xi32>
      %mul3A_130 = arith.constant 16 : i32
      %mul3A_131 = arith.muli %scan3A_24, %mul3A_130 : i32
      %add3A_132 = arith.constant 4608 : i32
      %add3A_133 = arith.addi %add3A_132, %mul3A_131 : i32
      %swap3A_134 = arith.index_cast %add3A_133 : i32 to index
      %swap3A_135 = tpu.vector_load %arg7[%swap3A_134] {strides = array<i32>} : memref<32768xi32, #tpu.memory_space<vmem>>, vector<16xi32>,
      %swap3A_136 = vector.shape_cast %swap3A_135 : vector<16xi32> to vector<16xi32>
      %swap3A_137 = vector.shape_cast %add3A_129 : vector<16xi32> to vector<16xi32>
      tpu.vector_store %arg7[%swap3A_134], %swap3A_137 {strides = array<i32>} : memref<32768xi32, #tpu.memory_space<vmem>>, vector<16xi32>,
      %add3A_138 = arith.constant 10000000 : i32
      %add3A_139 = vector.broadcast %add3A_138 : i32 to vector<16xi32>
      %add3A_140 = arith.addi %get3A_28, %add3A_139 : vector<16xi32>
      %mul3A_141 = arith.constant 16 : i32
      %mul3A_142 = arith.muli %scan3A_24, %mul3A_141 : i32
      %add3A_143 = arith.constant 5120 : i32
      %add3A_144 = arith.addi %add3A_143, %mul3A_142 : i32
      %swap3A_145 = arith.index_cast %add3A_144 : i32 to index
      %swap3A_146 = tpu.vector_load %arg7[%swap3A_145] {strides = array<i32>} : memref<32768xi32, #tpu.memory_space<vmem>>, vector<16xi32>,
      %swap3A_147 = vector.shape_cast %swap3A_146 : vector<16xi32> to vector<16xi32>
      %swap3A_148 = vector.shape_cast %add3A_140 : vector<16xi32> to vector<16xi32>
      tpu.vector_store %arg7[%swap3A_145], %swap3A_148 {strides = array<i32>} : memref<32768xi32, #tpu.memory_space<vmem>>, vector<16xi32>,
      %add3A_149 = arith.constant 11000000 : i32
      %add3A_150 = vector.broadcast %add3A_149 : i32 to vector<16xi32>
      %add3A_151 = arith.addi %get3A_28, %add3A_150 : vector<16xi32>
      %mul3A_152 = arith.constant 16 : i32
      %mul3A_153 = arith.muli %scan3A_24, %mul3A_152 : i32
      %add3A_154 = arith.constant 5632 : i32
      %add3A_155 = arith.addi %add3A_154, %mul3A_153 : i32
      %swap3A_156 = arith.index_cast %add3A_155 : i32 to index
      %swap3A_157 = tpu.vector_load %arg7[%swap3A_156] {strides = array<i32>} : memref<32768xi32, #tpu.memory_space<vmem>>, vector<16xi32>,
      %swap3A_158 = vector.shape_cast %swap3A_157 : vector<16xi32> to vector<16xi32>
      %swap3A_159 = vector.shape_cast %add3A_151 : vector<16xi32> to vector<16xi32>
      tpu.vector_store %arg7[%swap3A_156], %swap3A_159 {strides = array<i32>} : memref<32768xi32, #tpu.memory_space<vmem>>, vector<16xi32>,
      %add3A_160 = arith.constant 12000000 : i32
      %add3A_161 = vector.broadcast %add3A_160 : i32 to vector<16xi32>
      %add3A_162 = arith.addi %get3A_28, %add3A_161 : vector<16xi32>
      %mul3A_163 = arith.constant 16 : i32
      %mul3A_164 = arith.muli %scan3A_24, %mul3A_163 : i32
      %add3A_165 = arith.constant 6144 : i32
      %add3A_166 = arith.addi %add3A_165, %mul3A_164 : i32
      %swap3A_167 = arith.index_cast %add3A_166 : i32 to index
      %swap3A_168 = tpu.vector_load %arg7[%swap3A_167] {strides = array<i32>} : memref<32768xi32, #tpu.memory_space<vmem>>, vector<16xi32>,
      %swap3A_169 = vector.shape_cast %swap3A_168 : vector<16xi32> to vector<16xi32>
      %swap3A_170 = vector.shape_cast %add3A_162 : vector<16xi32> to vector<16xi32>
      tpu.vector_store %arg7[%swap3A_167], %swap3A_170 {strides = array<i32>} : memref<32768xi32, #tpu.memory_space<vmem>>, vector<16xi32>,
      %add3A_171 = arith.constant 13000000 : i32
      %add3A_172 = vector.broadcast %add3A_171 : i32 to vector<16xi32>
      %add3A_173 = arith.addi %get3A_28, %add3A_172 : vector<16xi32>
      %mul3A_174 = arith.constant 16 : i32
      %mul3A_175 = arith.muli %scan3A_24, %mul3A_174 : i32
      %add3A_176 = arith.constant 6656 : i32
      %add3A_177 = arith.addi %add3A_176, %mul3A_175 : i32
      %swap3A_178 = arith.index_cast %add3A_177 : i32 to index
      %swap3A_179 = tpu.vector_load %arg7[%swap3A_178] {strides = array<i32>} : memref<32768xi32, #tpu.memory_space<vmem>>, vector<16xi32>,
      %swap3A_180 = vector.shape_cast %swap3A_179 : vector<16xi32> to vector<16xi32>
      %swap3A_181 = vector.shape_cast %add3A_173 : vector<16xi32> to vector<16xi32>
      tpu.vector_store %arg7[%swap3A_178], %swap3A_181 {strides = array<i32>} : memref<32768xi32, #tpu.memory_space<vmem>>, vector<16xi32>,
      %add3A_182 = arith.constant 14000000 : i32
      %add3A_183 = vector.broadcast %add3A_182 : i32 to vector<16xi32>
      %add3A_184 = arith.addi %get3A_28, %add3A_183 : vector<16xi32>
      %mul3A_185 = arith.constant 16 : i32
      %mul3A_186 = arith.muli %scan3A_24, %mul3A_185 : i32
      %add3A_187 = arith.constant 7168 : i32
      %add3A_188 = arith.addi %add3A_187, %mul3A_186 : i32
      %swap3A_189 = arith.index_cast %add3A_188 : i32 to index
      %swap3A_190 = tpu.vector_load %arg7[%swap3A_189] {strides = array<i32>} : memref<32768xi32, #tpu.memory_space<vmem>>, vector<16xi32>,
      %swap3A_191 = vector.shape_cast %swap3A_190 : vector<16xi32> to vector<16xi32>
      %swap3A_192 = vector.shape_cast %add3A_184 : vector<16xi32> to vector<16xi32>
      tpu.vector_store %arg7[%swap3A_189], %swap3A_192 {strides = array<i32>} : memref<32768xi32, #tpu.memory_space<vmem>>, vector<16xi32>,
      %add3A_193 = arith.constant 15000000 : i32
      %add3A_194 = vector.broadcast %add3A_193 : i32 to vector<16xi32>
      %add3A_195 = arith.addi %get3A_28, %add3A_194 : vector<16xi32>
      %mul3A_196 = arith.constant 16 : i32
      %mul3A_197 = arith.muli %scan3A_24, %mul3A_196 : i32
      %add3A_198 = arith.constant 7680 : i32
      %add3A_199 = arith.addi %add3A_198, %mul3A_197 : i32
      %swap3A_200 = arith.index_cast %add3A_199 : i32 to index
      %swap3A_201 = tpu.vector_load %arg7[%swap3A_200] {strides = array<i32>} : memref<32768xi32, #tpu.memory_space<vmem>>, vector<16xi32>,
      %swap3A_202 = vector.shape_cast %swap3A_201 : vector<16xi32> to vector<16xi32>
      %swap3A_203 = vector.shape_cast %add3A_195 : vector<16xi32> to vector<16xi32>
      tpu.vector_store %arg7[%swap3A_200], %swap3A_203 {strides = array<i32>} : memref<32768xi32, #tpu.memory_space<vmem>>, vector<16xi32>,
      %add3A_204 = arith.constant 16000000 : i32
      %add3A_205 = vector.broadcast %add3A_204 : i32 to vector<16xi32>
      %add3A_206 = arith.addi %get3A_28, %add3A_205 : vector<16xi32>
      %mul3A_207 = arith.constant 16 : i32
      %mul3A_208 = arith.muli %scan3A_24, %mul3A_207 : i32
      %add3A_209 = arith.constant 8192 : i32
      %add3A_210 = arith.addi %add3A_209, %mul3A_208 : i32
      %swap3A_211 = arith.index_cast %add3A_210 : i32 to index
      %swap3A_212 = tpu.vector_load %arg7[%swap3A_211] {strides = array<i32>} : memref<32768xi32, #tpu.memory_space<vmem>>, vector<16xi32>,
      %swap3A_213 = vector.shape_cast %swap3A_212 : vector<16xi32> to vector<16xi32>
      %swap3A_214 = vector.shape_cast %add3A_206 : vector<16xi32> to vector<16xi32>
      tpu.vector_store %arg7[%swap3A_211], %swap3A_214 {strides = array<i32>} : memref<32768xi32, #tpu.memory_space<vmem>>, vector<16xi32>,
      %add3A_215 = arith.constant 17000000 : i32
      %add3A_216 = vector.broadcast %add3A_215 : i32 to vector<16xi32>
      %add3A_217 = arith.addi %get3A_28, %add3A_216 : vector<16xi32>
      %mul3A_218 = arith.constant 16 : i32
      %mul3A_219 = arith.muli %scan3A_24, %mul3A_218 : i32
      %add3A_220 = arith.constant 8704 : i32
      %add3A_221 = arith.addi %add3A_220, %mul3A_219 : i32
      %swap3A_222 = arith.index_cast %add3A_221 : i32 to index
      %swap3A_223 = tpu.vector_load %arg7[%swap3A_222] {strides = array<i32>} : memref<32768xi32, #tpu.memory_space<vmem>>, vector<16xi32>,
      %swap3A_224 = vector.shape_cast %swap3A_223 : vector<16xi32> to vector<16xi32>
      %swap3A_225 = vector.shape_cast %add3A_217 : vector<16xi32> to vector<16xi32>
      tpu.vector_store %arg7[%swap3A_222], %swap3A_225 {strides = array<i32>} : memref<32768xi32, #tpu.memory_space<vmem>>, vector<16xi32>,
      %add3A_226 = arith.constant 18000000 : i32
      %add3A_227 = vector.broadcast %add3A_226 : i32 to vector<16xi32>
      %add3A_228 = arith.addi %get3A_28, %add3A_227 : vector<16xi32>
      %mul3A_229 = arith.constant 16 : i32
      %mul3A_230 = arith.muli %scan3A_24, %mul3A_229 : i32
      %add3A_231 = arith.constant 9216 : i32
      %add3A_232 = arith.addi %add3A_231, %mul3A_230 : i32
      %swap3A_233 = arith.index_cast %add3A_232 : i32 to index
      %swap3A_234 = tpu.vector_load %arg7[%swap3A_233] {strides = array<i32>} : memref<32768xi32, #tpu.memory_space<vmem>>, vector<16xi32>,
      %swap3A_235 = vector.shape_cast %swap3A_234 : vector<16xi32> to vector<16xi32>
      %swap3A_236 = vector.shape_cast %add3A_228 : vector<16xi32> to vector<16xi32>
      tpu.vector_store %arg7[%swap3A_233], %swap3A_236 {strides = array<i32>} : memref<32768xi32, #tpu.memory_space<vmem>>, vector<16xi32>,
      %add3A_237 = arith.constant 19000000 : i32
      %add3A_238 = vector.broadcast %add3A_237 : i32 to vector<16xi32>
      %add3A_239 = arith.addi %get3A_28, %add3A_238 : vector<16xi32>
      %mul3A_240 = arith.constant 16 : i32
      %mul3A_241 = arith.muli %scan3A_24, %mul3A_240 : i32
      %add3A_242 = arith.constant 9728 : i32
      %add3A_243 = arith.addi %add3A_242, %mul3A_241 : i32
      %swap3A_244 = arith.index_cast %add3A_243 : i32 to index
      %swap3A_245 = tpu.vector_load %arg7[%swap3A_244] {strides = array<i32>} : memref<32768xi32, #tpu.memory_space<vmem>>, vector<16xi32>,
      %swap3A_246 = vector.shape_cast %swap3A_245 : vector<16xi32> to vector<16xi32>
      %swap3A_247 = vector.shape_cast %add3A_239 : vector<16xi32> to vector<16xi32>
      tpu.vector_store %arg7[%swap3A_244], %swap3A_247 {strides = array<i32>} : memref<32768xi32, #tpu.memory_space<vmem>>, vector<16xi32>,
      %add3A_248 = arith.constant 20000000 : i32
      %add3A_249 = vector.broadcast %add3A_248 : i32 to vector<16xi32>
      %add3A_250 = arith.addi %get3A_28, %add3A_249 : vector<16xi32>
      %mul3A_251 = arith.constant 16 : i32
      %mul3A_252 = arith.muli %scan3A_24, %mul3A_251 : i32
      %add3A_253 = arith.constant 10240 : i32
      %add3A_254 = arith.addi %add3A_253, %mul3A_252 : i32
      %swap3A_255 = arith.index_cast %add3A_254 : i32 to index
      %swap3A_256 = tpu.vector_load %arg7[%swap3A_255] {strides = array<i32>} : memref<32768xi32, #tpu.memory_space<vmem>>, vector<16xi32>,
      %swap3A_257 = vector.shape_cast %swap3A_256 : vector<16xi32> to vector<16xi32>
      %swap3A_258 = vector.shape_cast %add3A_250 : vector<16xi32> to vector<16xi32>
      tpu.vector_store %arg7[%swap3A_255], %swap3A_258 {strides = array<i32>} : memref<32768xi32, #tpu.memory_space<vmem>>, vector<16xi32>,
      %add3A_259 = arith.constant 21000000 : i32
      %add3A_260 = vector.broadcast %add3A_259 : i32 to vector<16xi32>
      %add3A_261 = arith.addi %get3A_28, %add3A_260 : vector<16xi32>
      %mul3A_262 = arith.constant 16 : i32
      %mul3A_263 = arith.muli %scan3A_24, %mul3A_262 : i32
      %add3A_264 = arith.constant 10752 : i32
      %add3A_265 = arith.addi %add3A_264, %mul3A_263 : i32
      %swap3A_266 = arith.index_cast %add3A_265 : i32 to index
      %swap3A_267 = tpu.vector_load %arg7[%swap3A_266] {strides = array<i32>} : memref<32768xi32, #tpu.memory_space<vmem>>, vector<16xi32>,
      %swap3A_268 = vector.shape_cast %swap3A_267 : vector<16xi32> to vector<16xi32>
      %swap3A_269 = vector.shape_cast %add3A_261 : vector<16xi32> to vector<16xi32>
      tpu.vector_store %arg7[%swap3A_266], %swap3A_269 {strides = array<i32>} : memref<32768xi32, #tpu.memory_space<vmem>>, vector<16xi32>,
      %add3A_270 = arith.constant 22000000 : i32
      %add3A_271 = vector.broadcast %add3A_270 : i32 to vector<16xi32>
      %add3A_272 = arith.addi %get3A_28, %add3A_271 : vector<16xi32>
      %mul3A_273 = arith.constant 16 : i32
      %mul3A_274 = arith.muli %scan3A_24, %mul3A_273 : i32
      %add3A_275 = arith.constant 11264 : i32
      %add3A_276 = arith.addi %add3A_275, %mul3A_274 : i32
      %swap3A_277 = arith.index_cast %add3A_276 : i32 to index
      %swap3A_278 = tpu.vector_load %arg7[%swap3A_277] {strides = array<i32>} : memref<32768xi32, #tpu.memory_space<vmem>>, vector<16xi32>,
      %swap3A_279 = vector.shape_cast %swap3A_278 : vector<16xi32> to vector<16xi32>
      %swap3A_280 = vector.shape_cast %add3A_272 : vector<16xi32> to vector<16xi32>
      tpu.vector_store %arg7[%swap3A_277], %swap3A_280 {strides = array<i32>} : memref<32768xi32, #tpu.memory_space<vmem>>, vector<16xi32>,
      %add3A_281 = arith.constant 23000000 : i32
      %add3A_282 = vector.broadcast %add3A_281 : i32 to vector<16xi32>
      %add3A_283 = arith.addi %get3A_28, %add3A_282 : vector<16xi32>
      %mul3A_284 = arith.constant 16 : i32
      %mul3A_285 = arith.muli %scan3A_24, %mul3A_284 : i32
      %add3A_286 = arith.constant 11776 : i32
      %add3A_287 = arith.addi %add3A_286, %mul3A_285 : i32
      %swap3A_288 = arith.index_cast %add3A_287 : i32 to index
      %swap3A_289 = tpu.vector_load %arg7[%swap3A_288] {strides = array<i32>} : memref<32768xi32, #tpu.memory_space<vmem>>, vector<16xi32>,
      %swap3A_290 = vector.shape_cast %swap3A_289 : vector<16xi32> to vector<16xi32>
      %swap3A_291 = vector.shape_cast %add3A_283 : vector<16xi32> to vector<16xi32>
      tpu.vector_store %arg7[%swap3A_288], %swap3A_291 {strides = array<i32>} : memref<32768xi32, #tpu.memory_space<vmem>>, vector<16xi32>,
      %add3A_292 = arith.constant 24000000 : i32
      %add3A_293 = vector.broadcast %add3A_292 : i32 to vector<16xi32>
      %add3A_294 = arith.addi %get3A_28, %add3A_293 : vector<16xi32>
      %mul3A_295 = arith.constant 16 : i32
      %mul3A_296 = arith.muli %scan3A_24, %mul3A_295 : i32
      %add3A_297 = arith.constant 12288 : i32
      %add3A_298 = arith.addi %add3A_297, %mul3A_296 : i32
      %swap3A_299 = arith.index_cast %add3A_298 : i32 to index
      %swap3A_300 = tpu.vector_load %arg7[%swap3A_299] {strides = array<i32>} : memref<32768xi32, #tpu.memory_space<vmem>>, vector<16xi32>,
      %swap3A_301 = vector.shape_cast %swap3A_300 : vector<16xi32> to vector<16xi32>
      %swap3A_302 = vector.shape_cast %add3A_294 : vector<16xi32> to vector<16xi32>
      tpu.vector_store %arg7[%swap3A_299], %swap3A_302 {strides = array<i32>} : memref<32768xi32, #tpu.memory_space<vmem>>, vector<16xi32>,
      %add3A_303 = arith.constant 25000000 : i32
      %add3A_304 = vector.broadcast %add3A_303 : i32 to vector<16xi32>
      %add3A_305 = arith.addi %get3A_28, %add3A_304 : vector<16xi32>
      %mul3A_306 = arith.constant 16 : i32
      %mul3A_307 = arith.muli %scan3A_24, %mul3A_306 : i32
      %add3A_308 = arith.constant 12800 : i32
      %add3A_309 = arith.addi %add3A_308, %mul3A_307 : i32
      %swap3A_310 = arith.index_cast %add3A_309 : i32 to index
      %swap3A_311 = tpu.vector_load %arg7[%swap3A_310] {strides = array<i32>} : memref<32768xi32, #tpu.memory_space<vmem>>, vector<16xi32>,
      %swap3A_312 = vector.shape_cast %swap3A_311 : vector<16xi32> to vector<16xi32>
      %swap3A_313 = vector.shape_cast %add3A_305 : vector<16xi32> to vector<16xi32>
      tpu.vector_store %arg7[%swap3A_310], %swap3A_313 {strides = array<i32>} : memref<32768xi32, #tpu.memory_space<vmem>>, vector<16xi32>,
      %add3A_314 = arith.constant 26000000 : i32
      %add3A_315 = vector.broadcast %add3A_314 : i32 to vector<16xi32>
      %add3A_316 = arith.addi %get3A_28, %add3A_315 : vector<16xi32>
      %mul3A_317 = arith.constant 16 : i32
      %mul3A_318 = arith.muli %scan3A_24, %mul3A_317 : i32
      %add3A_319 = arith.constant 13312 : i32
      %add3A_320 = arith.addi %add3A_319, %mul3A_318 : i32
      %swap3A_321 = arith.index_cast %add3A_320 : i32 to index
      %swap3A_322 = tpu.vector_load %arg7[%swap3A_321] {strides = array<i32>} : memref<32768xi32, #tpu.memory_space<vmem>>, vector<16xi32>,
      %swap3A_323 = vector.shape_cast %swap3A_322 : vector<16xi32> to vector<16xi32>
      %swap3A_324 = vector.shape_cast %add3A_316 : vector<16xi32> to vector<16xi32>
      tpu.vector_store %arg7[%swap3A_321], %swap3A_324 {strides = array<i32>} : memref<32768xi32, #tpu.memory_space<vmem>>, vector<16xi32>,
      %add3A_325 = arith.constant 27000000 : i32
      %add3A_326 = vector.broadcast %add3A_325 : i32 to vector<16xi32>
      %add3A_327 = arith.addi %get3A_28, %add3A_326 : vector<16xi32>
      %mul3A_328 = arith.constant 16 : i32
      %mul3A_329 = arith.muli %scan3A_24, %mul3A_328 : i32
      %add3A_330 = arith.constant 13824 : i32
      %add3A_331 = arith.addi %add3A_330, %mul3A_329 : i32
      %swap3A_332 = arith.index_cast %add3A_331 : i32 to index
      %swap3A_333 = tpu.vector_load %arg7[%swap3A_332] {strides = array<i32>} : memref<32768xi32, #tpu.memory_space<vmem>>, vector<16xi32>,
      %swap3A_334 = vector.shape_cast %swap3A_333 : vector<16xi32> to vector<16xi32>
      %swap3A_335 = vector.shape_cast %add3A_327 : vector<16xi32> to vector<16xi32>
      tpu.vector_store %arg7[%swap3A_332], %swap3A_335 {strides = array<i32>} : memref<32768xi32, #tpu.memory_space<vmem>>, vector<16xi32>,
      %add3A_336 = arith.constant 28000000 : i32
      %add3A_337 = vector.broadcast %add3A_336 : i32 to vector<16xi32>
      %add3A_338 = arith.addi %get3A_28, %add3A_337 : vector<16xi32>
      %mul3A_339 = arith.constant 16 : i32
      %mul3A_340 = arith.muli %scan3A_24, %mul3A_339 : i32
      %add3A_341 = arith.constant 14336 : i32
      %add3A_342 = arith.addi %add3A_341, %mul3A_340 : i32
      %swap3A_343 = arith.index_cast %add3A_342 : i32 to index
      %swap3A_344 = tpu.vector_load %arg7[%swap3A_343] {strides = array<i32>} : memref<32768xi32, #tpu.memory_space<vmem>>, vector<16xi32>,
      %swap3A_345 = vector.shape_cast %swap3A_344 : vector<16xi32> to vector<16xi32>
      %swap3A_346 = vector.shape_cast %add3A_338 : vector<16xi32> to vector<16xi32>
      tpu.vector_store %arg7[%swap3A_343], %swap3A_346 {strides = array<i32>} : memref<32768xi32, #tpu.memory_space<vmem>>, vector<16xi32>,
      %add3A_347 = arith.constant 29000000 : i32
      %add3A_348 = vector.broadcast %add3A_347 : i32 to vector<16xi32>
      %add3A_349 = arith.addi %get3A_28, %add3A_348 : vector<16xi32>
      %mul3A_350 = arith.constant 16 : i32
      %mul3A_351 = arith.muli %scan3A_24, %mul3A_350 : i32
      %add3A_352 = arith.constant 14848 : i32
      %add3A_353 = arith.addi %add3A_352, %mul3A_351 : i32
      %swap3A_354 = arith.index_cast %add3A_353 : i32 to index
      %swap3A_355 = tpu.vector_load %arg7[%swap3A_354] {strides = array<i32>} : memref<32768xi32, #tpu.memory_space<vmem>>, vector<16xi32>,
      %swap3A_356 = vector.shape_cast %swap3A_355 : vector<16xi32> to vector<16xi32>
      %swap3A_357 = vector.shape_cast %add3A_349 : vector<16xi32> to vector<16xi32>
      tpu.vector_store %arg7[%swap3A_354], %swap3A_357 {strides = array<i32>} : memref<32768xi32, #tpu.memory_space<vmem>>, vector<16xi32>,
      %add3A_358 = arith.constant 30000000 : i32
      %add3A_359 = vector.broadcast %add3A_358 : i32 to vector<16xi32>
      %add3A_360 = arith.addi %get3A_28, %add3A_359 : vector<16xi32>
      %mul3A_361 = arith.constant 16 : i32
      %mul3A_362 = arith.muli %scan3A_24, %mul3A_361 : i32
      %add3A_363 = arith.constant 15360 : i32
      %add3A_364 = arith.addi %add3A_363, %mul3A_362 : i32
      %swap3A_365 = arith.index_cast %add3A_364 : i32 to index
      %swap3A_366 = tpu.vector_load %arg7[%swap3A_365] {strides = array<i32>} : memref<32768xi32, #tpu.memory_space<vmem>>, vector<16xi32>,
      %swap3A_367 = vector.shape_cast %swap3A_366 : vector<16xi32> to vector<16xi32>
      %swap3A_368 = vector.shape_cast %add3A_360 : vector<16xi32> to vector<16xi32>
      tpu.vector_store %arg7[%swap3A_365], %swap3A_368 {strides = array<i32>} : memref<32768xi32, #tpu.memory_space<vmem>>, vector<16xi32>,
      %add3A_369 = arith.constant 31000000 : i32
      %add3A_370 = vector.broadcast %add3A_369 : i32 to vector<16xi32>
      %add3A_371 = arith.addi %get3A_28, %add3A_370 : vector<16xi32>
      %mul3A_372 = arith.constant 16 : i32
      %mul3A_373 = arith.muli %scan3A_24, %mul3A_372 : i32
      %add3A_374 = arith.constant 15872 : i32
      %add3A_375 = arith.addi %add3A_374, %mul3A_373 : i32
      %swap3A_376 = arith.index_cast %add3A_375 : i32 to index
      %swap3A_377 = tpu.vector_load %arg7[%swap3A_376] {strides = array<i32>} : memref<32768xi32, #tpu.memory_space<vmem>>, vector<16xi32>,
      %swap3A_378 = vector.shape_cast %swap3A_377 : vector<16xi32> to vector<16xi32>
      %swap3A_379 = vector.shape_cast %add3A_371 : vector<16xi32> to vector<16xi32>
      tpu.vector_store %arg7[%swap3A_376], %swap3A_379 {strides = array<i32>} : memref<32768xi32, #tpu.memory_space<vmem>>, vector<16xi32>,
      %add3A_380 = arith.constant 32000000 : i32
      %add3A_381 = vector.broadcast %add3A_380 : i32 to vector<16xi32>
      %add3A_382 = arith.addi %get3A_28, %add3A_381 : vector<16xi32>
      %mul3A_383 = arith.constant 16 : i32
      %mul3A_384 = arith.muli %scan3A_24, %mul3A_383 : i32
      %add3A_385 = arith.constant 16384 : i32
      %add3A_386 = arith.addi %add3A_385, %mul3A_384 : i32
      %swap3A_387 = arith.index_cast %add3A_386 : i32 to index
      %swap3A_388 = tpu.vector_load %arg7[%swap3A_387] {strides = array<i32>} : memref<32768xi32, #tpu.memory_space<vmem>>, vector<16xi32>,
      %swap3A_389 = vector.shape_cast %swap3A_388 : vector<16xi32> to vector<16xi32>
      %swap3A_390 = vector.shape_cast %add3A_382 : vector<16xi32> to vector<16xi32>
      tpu.vector_store %arg7[%swap3A_387], %swap3A_390 {strides = array<i32>} : memref<32768xi32, #tpu.memory_space<vmem>>, vector<16xi32>,
      %add3A_391 = arith.constant 33000000 : i32
      %add3A_392 = vector.broadcast %add3A_391 : i32 to vector<16xi32>
      %add3A_393 = arith.addi %get3A_28, %add3A_392 : vector<16xi32>
      %mul3A_394 = arith.constant 16 : i32
      %mul3A_395 = arith.muli %scan3A_24, %mul3A_394 : i32
      %add3A_396 = arith.constant 16896 : i32
      %add3A_397 = arith.addi %add3A_396, %mul3A_395 : i32
      %swap3A_398 = arith.index_cast %add3A_397 : i32 to index
      %swap3A_399 = tpu.vector_load %arg7[%swap3A_398] {strides = array<i32>} : memref<32768xi32, #tpu.memory_space<vmem>>, vector<16xi32>,
      %swap3A_400 = vector.shape_cast %swap3A_399 : vector<16xi32> to vector<16xi32>
      %swap3A_401 = vector.shape_cast %add3A_393 : vector<16xi32> to vector<16xi32>
      tpu.vector_store %arg7[%swap3A_398], %swap3A_401 {strides = array<i32>} : memref<32768xi32, #tpu.memory_space<vmem>>, vector<16xi32>,
      %add3A_402 = arith.constant 34000000 : i32
      %add3A_403 = vector.broadcast %add3A_402 : i32 to vector<16xi32>
      %add3A_404 = arith.addi %get3A_28, %add3A_403 : vector<16xi32>
      %mul3A_405 = arith.constant 16 : i32
      %mul3A_406 = arith.muli %scan3A_24, %mul3A_405 : i32
      %add3A_407 = arith.constant 17408 : i32
      %add3A_408 = arith.addi %add3A_407, %mul3A_406 : i32
      %swap3A_409 = arith.index_cast %add3A_408 : i32 to index
      %swap3A_410 = tpu.vector_load %arg7[%swap3A_409] {strides = array<i32>} : memref<32768xi32, #tpu.memory_space<vmem>>, vector<16xi32>,
      %swap3A_411 = vector.shape_cast %swap3A_410 : vector<16xi32> to vector<16xi32>
      %swap3A_412 = vector.shape_cast %add3A_404 : vector<16xi32> to vector<16xi32>
      tpu.vector_store %arg7[%swap3A_409], %swap3A_412 {strides = array<i32>} : memref<32768xi32, #tpu.memory_space<vmem>>, vector<16xi32>,
      %add3A_413 = arith.constant 35000000 : i32
      %add3A_414 = vector.broadcast %add3A_413 : i32 to vector<16xi32>
      %add3A_415 = arith.addi %get3A_28, %add3A_414 : vector<16xi32>
      %mul3A_416 = arith.constant 16 : i32
      %mul3A_417 = arith.muli %scan3A_24, %mul3A_416 : i32
      %add3A_418 = arith.constant 17920 : i32
      %add3A_419 = arith.addi %add3A_418, %mul3A_417 : i32
      %swap3A_420 = arith.index_cast %add3A_419 : i32 to index
      %swap3A_421 = tpu.vector_load %arg7[%swap3A_420] {strides = array<i32>} : memref<32768xi32, #tpu.memory_space<vmem>>, vector<16xi32>,
      %swap3A_422 = vector.shape_cast %swap3A_421 : vector<16xi32> to vector<16xi32>
      %swap3A_423 = vector.shape_cast %add3A_415 : vector<16xi32> to vector<16xi32>
      tpu.vector_store %arg7[%swap3A_420], %swap3A_423 {strides = array<i32>} : memref<32768xi32, #tpu.memory_space<vmem>>, vector<16xi32>,
      %add3A_424 = arith.constant 36000000 : i32
      %add3A_425 = vector.broadcast %add3A_424 : i32 to vector<16xi32>
      %add3A_426 = arith.addi %get3A_28, %add3A_425 : vector<16xi32>
      %mul3A_427 = arith.constant 16 : i32
      %mul3A_428 = arith.muli %scan3A_24, %mul3A_427 : i32
      %add3A_429 = arith.constant 18432 : i32
      %add3A_430 = arith.addi %add3A_429, %mul3A_428 : i32
      %swap3A_431 = arith.index_cast %add3A_430 : i32 to index
      %swap3A_432 = tpu.vector_load %arg7[%swap3A_431] {strides = array<i32>} : memref<32768xi32, #tpu.memory_space<vmem>>, vector<16xi32>,
      %swap3A_433 = vector.shape_cast %swap3A_432 : vector<16xi32> to vector<16xi32>
      %swap3A_434 = vector.shape_cast %add3A_426 : vector<16xi32> to vector<16xi32>
      tpu.vector_store %arg7[%swap3A_431], %swap3A_434 {strides = array<i32>} : memref<32768xi32, #tpu.memory_space<vmem>>, vector<16xi32>,
      %add3A_435 = arith.constant 37000000 : i32
      %add3A_436 = vector.broadcast %add3A_435 : i32 to vector<16xi32>
      %add3A_437 = arith.addi %get3A_28, %add3A_436 : vector<16xi32>
      %mul3A_438 = arith.constant 16 : i32
      %mul3A_439 = arith.muli %scan3A_24, %mul3A_438 : i32
      %add3A_440 = arith.constant 18944 : i32
      %add3A_441 = arith.addi %add3A_440, %mul3A_439 : i32
      %swap3A_442 = arith.index_cast %add3A_441 : i32 to index
      %swap3A_443 = tpu.vector_load %arg7[%swap3A_442] {strides = array<i32>} : memref<32768xi32, #tpu.memory_space<vmem>>, vector<16xi32>,
      %swap3A_444 = vector.shape_cast %swap3A_443 : vector<16xi32> to vector<16xi32>
      %swap3A_445 = vector.shape_cast %add3A_437 : vector<16xi32> to vector<16xi32>
      tpu.vector_store %arg7[%swap3A_442], %swap3A_445 {strides = array<i32>} : memref<32768xi32, #tpu.memory_space<vmem>>, vector<16xi32>,
      %add3A_446 = arith.constant 38000000 : i32
      %add3A_447 = vector.broadcast %add3A_446 : i32 to vector<16xi32>
      %add3A_448 = arith.addi %get3A_28, %add3A_447 : vector<16xi32>
      %mul3A_449 = arith.constant 16 : i32
      %mul3A_450 = arith.muli %scan3A_24, %mul3A_449 : i32
      %add3A_451 = arith.constant 19456 : i32
      %add3A_452 = arith.addi %add3A_451, %mul3A_450 : i32
      %swap3A_453 = arith.index_cast %add3A_452 : i32 to index
      %swap3A_454 = tpu.vector_load %arg7[%swap3A_453] {strides = array<i32>} : memref<32768xi32, #tpu.memory_space<vmem>>, vector<16xi32>,
      %swap3A_455 = vector.shape_cast %swap3A_454 : vector<16xi32> to vector<16xi32>
      %swap3A_456 = vector.shape_cast %add3A_448 : vector<16xi32> to vector<16xi32>
      tpu.vector_store %arg7[%swap3A_453], %swap3A_456 {strides = array<i32>} : memref<32768xi32, #tpu.memory_space<vmem>>, vector<16xi32>,
      %add3A_457 = arith.constant 39000000 : i32
      %add3A_458 = vector.broadcast %add3A_457 : i32 to vector<16xi32>
      %add3A_459 = arith.addi %get3A_28, %add3A_458 : vector<16xi32>
      %mul3A_460 = arith.constant 16 : i32
      %mul3A_461 = arith.muli %scan3A_24, %mul3A_460 : i32
      %add3A_462 = arith.constant 19968 : i32
      %add3A_463 = arith.addi %add3A_462, %mul3A_461 : i32
      %swap3A_464 = arith.index_cast %add3A_463 : i32 to index
      %swap3A_465 = tpu.vector_load %arg7[%swap3A_464] {strides = array<i32>} : memref<32768xi32, #tpu.memory_space<vmem>>, vector<16xi32>,
      %swap3A_466 = vector.shape_cast %swap3A_465 : vector<16xi32> to vector<16xi32>
      %swap3A_467 = vector.shape_cast %add3A_459 : vector<16xi32> to vector<16xi32>
      tpu.vector_store %arg7[%swap3A_464], %swap3A_467 {strides = array<i32>} : memref<32768xi32, #tpu.memory_space<vmem>>, vector<16xi32>,
      %add3A_468 = arith.constant 40000000 : i32
      %add3A_469 = vector.broadcast %add3A_468 : i32 to vector<16xi32>
      %add3A_470 = arith.addi %get3A_28, %add3A_469 : vector<16xi32>
      %mul3A_471 = arith.constant 16 : i32
      %mul3A_472 = arith.muli %scan3A_24, %mul3A_471 : i32
      %add3A_473 = arith.constant 20480 : i32
      %add3A_474 = arith.addi %add3A_473, %mul3A_472 : i32
      %swap3A_475 = arith.index_cast %add3A_474 : i32 to index
      %swap3A_476 = tpu.vector_load %arg7[%swap3A_475] {strides = array<i32>} : memref<32768xi32, #tpu.memory_space<vmem>>, vector<16xi32>,
      %swap3A_477 = vector.shape_cast %swap3A_476 : vector<16xi32> to vector<16xi32>
      %swap3A_478 = vector.shape_cast %add3A_470 : vector<16xi32> to vector<16xi32>
      tpu.vector_store %arg7[%swap3A_475], %swap3A_478 {strides = array<i32>} : memref<32768xi32, #tpu.memory_space<vmem>>, vector<16xi32>,
      %add3A_479 = arith.constant 41000000 : i32
      %add3A_480 = vector.broadcast %add3A_479 : i32 to vector<16xi32>
      %add3A_481 = arith.addi %get3A_28, %add3A_480 : vector<16xi32>
      %mul3A_482 = arith.constant 16 : i32
      %mul3A_483 = arith.muli %scan3A_24, %mul3A_482 : i32
      %add3A_484 = arith.constant 20992 : i32
      %add3A_485 = arith.addi %add3A_484, %mul3A_483 : i32
      %swap3A_486 = arith.index_cast %add3A_485 : i32 to index
      %swap3A_487 = tpu.vector_load %arg7[%swap3A_486] {strides = array<i32>} : memref<32768xi32, #tpu.memory_space<vmem>>, vector<16xi32>,
      %swap3A_488 = vector.shape_cast %swap3A_487 : vector<16xi32> to vector<16xi32>
      %swap3A_489 = vector.shape_cast %add3A_481 : vector<16xi32> to vector<16xi32>
      tpu.vector_store %arg7[%swap3A_486], %swap3A_489 {strides = array<i32>} : memref<32768xi32, #tpu.memory_space<vmem>>, vector<16xi32>,
      %add3A_490 = arith.constant 42000000 : i32
      %add3A_491 = vector.broadcast %add3A_490 : i32 to vector<16xi32>
      %add3A_492 = arith.addi %get3A_28, %add3A_491 : vector<16xi32>
      %mul3A_493 = arith.constant 16 : i32
      %mul3A_494 = arith.muli %scan3A_24, %mul3A_493 : i32
      %add3A_495 = arith.constant 21504 : i32
      %add3A_496 = arith.addi %add3A_495, %mul3A_494 : i32
      %swap3A_497 = arith.index_cast %add3A_496 : i32 to index
      %swap3A_498 = tpu.vector_load %arg7[%swap3A_497] {strides = array<i32>} : memref<32768xi32, #tpu.memory_space<vmem>>, vector<16xi32>,
      %swap3A_499 = vector.shape_cast %swap3A_498 : vector<16xi32> to vector<16xi32>
      %swap3A_500 = vector.shape_cast %add3A_492 : vector<16xi32> to vector<16xi32>
      tpu.vector_store %arg7[%swap3A_497], %swap3A_500 {strides = array<i32>} : memref<32768xi32, #tpu.memory_space<vmem>>, vector<16xi32>,
      %add3A_501 = arith.constant 43000000 : i32
      %add3A_502 = vector.broadcast %add3A_501 : i32 to vector<16xi32>
      %add3A_503 = arith.addi %get3A_28, %add3A_502 : vector<16xi32>
      %mul3A_504 = arith.constant 16 : i32
      %mul3A_505 = arith.muli %scan3A_24, %mul3A_504 : i32
      %add3A_506 = arith.constant 22016 : i32
      %add3A_507 = arith.addi %add3A_506, %mul3A_505 : i32
      %swap3A_508 = arith.index_cast %add3A_507 : i32 to index
      %swap3A_509 = tpu.vector_load %arg7[%swap3A_508] {strides = array<i32>} : memref<32768xi32, #tpu.memory_space<vmem>>, vector<16xi32>,
      %swap3A_510 = vector.shape_cast %swap3A_509 : vector<16xi32> to vector<16xi32>
      %swap3A_511 = vector.shape_cast %add3A_503 : vector<16xi32> to vector<16xi32>
      tpu.vector_store %arg7[%swap3A_508], %swap3A_511 {strides = array<i32>} : memref<32768xi32, #tpu.memory_space<vmem>>, vector<16xi32>,
      %add3A_512 = arith.constant 44000000 : i32
      %add3A_513 = vector.broadcast %add3A_512 : i32 to vector<16xi32>
      %add3A_514 = arith.addi %get3A_28, %add3A_513 : vector<16xi32>
      %mul3A_515 = arith.constant 16 : i32
      %mul3A_516 = arith.muli %scan3A_24, %mul3A_515 : i32
      %add3A_517 = arith.constant 22528 : i32
      %add3A_518 = arith.addi %add3A_517, %mul3A_516 : i32
      %swap3A_519 = arith.index_cast %add3A_518 : i32 to index
      %swap3A_520 = tpu.vector_load %arg7[%swap3A_519] {strides = array<i32>} : memref<32768xi32, #tpu.memory_space<vmem>>, vector<16xi32>,
      %swap3A_521 = vector.shape_cast %swap3A_520 : vector<16xi32> to vector<16xi32>
      %swap3A_522 = vector.shape_cast %add3A_514 : vector<16xi32> to vector<16xi32>
      tpu.vector_store %arg7[%swap3A_519], %swap3A_522 {strides = array<i32>} : memref<32768xi32, #tpu.memory_space<vmem>>, vector<16xi32>,
      %add3A_523 = arith.constant 45000000 : i32
      %add3A_524 = vector.broadcast %add3A_523 : i32 to vector<16xi32>
      %add3A_525 = arith.addi %get3A_28, %add3A_524 : vector<16xi32>
      %mul3A_526 = arith.constant 16 : i32
      %mul3A_527 = arith.muli %scan3A_24, %mul3A_526 : i32
      %add3A_528 = arith.constant 23040 : i32
      %add3A_529 = arith.addi %add3A_528, %mul3A_527 : i32
      %swap3A_530 = arith.index_cast %add3A_529 : i32 to index
      %swap3A_531 = tpu.vector_load %arg7[%swap3A_530] {strides = array<i32>} : memref<32768xi32, #tpu.memory_space<vmem>>, vector<16xi32>,
      %swap3A_532 = vector.shape_cast %swap3A_531 : vector<16xi32> to vector<16xi32>
      %swap3A_533 = vector.shape_cast %add3A_525 : vector<16xi32> to vector<16xi32>
      tpu.vector_store %arg7[%swap3A_530], %swap3A_533 {strides = array<i32>} : memref<32768xi32, #tpu.memory_space<vmem>>, vector<16xi32>,
      %add3A_534 = arith.constant 46000000 : i32
      %add3A_535 = vector.broadcast %add3A_534 : i32 to vector<16xi32>
      %add3A_536 = arith.addi %get3A_28, %add3A_535 : vector<16xi32>
      %mul3A_537 = arith.constant 16 : i32
      %mul3A_538 = arith.muli %scan3A_24, %mul3A_537 : i32
      %add3A_539 = arith.constant 23552 : i32
      %add3A_540 = arith.addi %add3A_539, %mul3A_538 : i32
      %swap3A_541 = arith.index_cast %add3A_540 : i32 to index
      %swap3A_542 = tpu.vector_load %arg7[%swap3A_541] {strides = array<i32>} : memref<32768xi32, #tpu.memory_space<vmem>>, vector<16xi32>,
      %swap3A_543 = vector.shape_cast %swap3A_542 : vector<16xi32> to vector<16xi32>
      %swap3A_544 = vector.shape_cast %add3A_536 : vector<16xi32> to vector<16xi32>
      tpu.vector_store %arg7[%swap3A_541], %swap3A_544 {strides = array<i32>} : memref<32768xi32, #tpu.memory_space<vmem>>, vector<16xi32>,
      %add3A_545 = arith.constant 47000000 : i32
      %add3A_546 = vector.broadcast %add3A_545 : i32 to vector<16xi32>
      %add3A_547 = arith.addi %get3A_28, %add3A_546 : vector<16xi32>
      %mul3A_548 = arith.constant 16 : i32
      %mul3A_549 = arith.muli %scan3A_24, %mul3A_548 : i32
      %add3A_550 = arith.constant 24064 : i32
      %add3A_551 = arith.addi %add3A_550, %mul3A_549 : i32
      %swap3A_552 = arith.index_cast %add3A_551 : i32 to index
      %swap3A_553 = tpu.vector_load %arg7[%swap3A_552] {strides = array<i32>} : memref<32768xi32, #tpu.memory_space<vmem>>, vector<16xi32>,
      %swap3A_554 = vector.shape_cast %swap3A_553 : vector<16xi32> to vector<16xi32>
      %swap3A_555 = vector.shape_cast %add3A_547 : vector<16xi32> to vector<16xi32>
      tpu.vector_store %arg7[%swap3A_552], %swap3A_555 {strides = array<i32>} : memref<32768xi32, #tpu.memory_space<vmem>>, vector<16xi32>,
      %add3A_556 = arith.constant 48000000 : i32
      %add3A_557 = vector.broadcast %add3A_556 : i32 to vector<16xi32>
      %add3A_558 = arith.addi %get3A_28, %add3A_557 : vector<16xi32>
      %mul3A_559 = arith.constant 16 : i32
      %mul3A_560 = arith.muli %scan3A_24, %mul3A_559 : i32
      %add3A_561 = arith.constant 24576 : i32
      %add3A_562 = arith.addi %add3A_561, %mul3A_560 : i32
      %swap3A_563 = arith.index_cast %add3A_562 : i32 to index
      %swap3A_564 = tpu.vector_load %arg7[%swap3A_563] {strides = array<i32>} : memref<32768xi32, #tpu.memory_space<vmem>>, vector<16xi32>,
      %swap3A_565 = vector.shape_cast %swap3A_564 : vector<16xi32> to vector<16xi32>
      %swap3A_566 = vector.shape_cast %add3A_558 : vector<16xi32> to vector<16xi32>
      tpu.vector_store %arg7[%swap3A_563], %swap3A_566 {strides = array<i32>} : memref<32768xi32, #tpu.memory_space<vmem>>, vector<16xi32>,
      %add3A_567 = arith.constant 49000000 : i32
      %add3A_568 = vector.broadcast %add3A_567 : i32 to vector<16xi32>
      %add3A_569 = arith.addi %get3A_28, %add3A_568 : vector<16xi32>
      %mul3A_570 = arith.constant 16 : i32
      %mul3A_571 = arith.muli %scan3A_24, %mul3A_570 : i32
      %add3A_572 = arith.constant 25088 : i32
      %add3A_573 = arith.addi %add3A_572, %mul3A_571 : i32
      %swap3A_574 = arith.index_cast %add3A_573 : i32 to index
      %swap3A_575 = tpu.vector_load %arg7[%swap3A_574] {strides = array<i32>} : memref<32768xi32, #tpu.memory_space<vmem>>, vector<16xi32>,
      %swap3A_576 = vector.shape_cast %swap3A_575 : vector<16xi32> to vector<16xi32>
      %swap3A_577 = vector.shape_cast %add3A_569 : vector<16xi32> to vector<16xi32>
      tpu.vector_store %arg7[%swap3A_574], %swap3A_577 {strides = array<i32>} : memref<32768xi32, #tpu.memory_space<vmem>>, vector<16xi32>,
      %add3A_578 = arith.constant 50000000 : i32
      %add3A_579 = vector.broadcast %add3A_578 : i32 to vector<16xi32>
      %add3A_580 = arith.addi %get3A_28, %add3A_579 : vector<16xi32>
      %mul3A_581 = arith.constant 16 : i32
      %mul3A_582 = arith.muli %scan3A_24, %mul3A_581 : i32
      %add3A_583 = arith.constant 25600 : i32
      %add3A_584 = arith.addi %add3A_583, %mul3A_582 : i32
      %swap3A_585 = arith.index_cast %add3A_584 : i32 to index
      %swap3A_586 = tpu.vector_load %arg7[%swap3A_585] {strides = array<i32>} : memref<32768xi32, #tpu.memory_space<vmem>>, vector<16xi32>,
      %swap3A_587 = vector.shape_cast %swap3A_586 : vector<16xi32> to vector<16xi32>
      %swap3A_588 = vector.shape_cast %add3A_580 : vector<16xi32> to vector<16xi32>
      tpu.vector_store %arg7[%swap3A_585], %swap3A_588 {strides = array<i32>} : memref<32768xi32, #tpu.memory_space<vmem>>, vector<16xi32>,
      %add3A_589 = arith.constant 51000000 : i32
      %add3A_590 = vector.broadcast %add3A_589 : i32 to vector<16xi32>
      %add3A_591 = arith.addi %get3A_28, %add3A_590 : vector<16xi32>
      %mul3A_592 = arith.constant 16 : i32
      %mul3A_593 = arith.muli %scan3A_24, %mul3A_592 : i32
      %add3A_594 = arith.constant 26112 : i32
      %add3A_595 = arith.addi %add3A_594, %mul3A_593 : i32
      %swap3A_596 = arith.index_cast %add3A_595 : i32 to index
      %swap3A_597 = tpu.vector_load %arg7[%swap3A_596] {strides = array<i32>} : memref<32768xi32, #tpu.memory_space<vmem>>, vector<16xi32>,
      %swap3A_598 = vector.shape_cast %swap3A_597 : vector<16xi32> to vector<16xi32>
      %swap3A_599 = vector.shape_cast %add3A_591 : vector<16xi32> to vector<16xi32>
      tpu.vector_store %arg7[%swap3A_596], %swap3A_599 {strides = array<i32>} : memref<32768xi32, #tpu.memory_space<vmem>>, vector<16xi32>,
      %add3A_600 = arith.constant 52000000 : i32
      %add3A_601 = vector.broadcast %add3A_600 : i32 to vector<16xi32>
      %add3A_602 = arith.addi %get3A_28, %add3A_601 : vector<16xi32>
      %mul3A_603 = arith.constant 16 : i32
      %mul3A_604 = arith.muli %scan3A_24, %mul3A_603 : i32
      %add3A_605 = arith.constant 26624 : i32
      %add3A_606 = arith.addi %add3A_605, %mul3A_604 : i32
      %swap3A_607 = arith.index_cast %add3A_606 : i32 to index
      %swap3A_608 = tpu.vector_load %arg7[%swap3A_607] {strides = array<i32>} : memref<32768xi32, #tpu.memory_space<vmem>>, vector<16xi32>,
      %swap3A_609 = vector.shape_cast %swap3A_608 : vector<16xi32> to vector<16xi32>
      %swap3A_610 = vector.shape_cast %add3A_602 : vector<16xi32> to vector<16xi32>
      tpu.vector_store %arg7[%swap3A_607], %swap3A_610 {strides = array<i32>} : memref<32768xi32, #tpu.memory_space<vmem>>, vector<16xi32>,
      %add3A_611 = arith.constant 53000000 : i32
      %add3A_612 = vector.broadcast %add3A_611 : i32 to vector<16xi32>
      %add3A_613 = arith.addi %get3A_28, %add3A_612 : vector<16xi32>
      %mul3A_614 = arith.constant 16 : i32
      %mul3A_615 = arith.muli %scan3A_24, %mul3A_614 : i32
      %add3A_616 = arith.constant 27136 : i32
      %add3A_617 = arith.addi %add3A_616, %mul3A_615 : i32
      %swap3A_618 = arith.index_cast %add3A_617 : i32 to index
      %swap3A_619 = tpu.vector_load %arg7[%swap3A_618] {strides = array<i32>} : memref<32768xi32, #tpu.memory_space<vmem>>, vector<16xi32>,
      %swap3A_620 = vector.shape_cast %swap3A_619 : vector<16xi32> to vector<16xi32>
      %swap3A_621 = vector.shape_cast %add3A_613 : vector<16xi32> to vector<16xi32>
      tpu.vector_store %arg7[%swap3A_618], %swap3A_621 {strides = array<i32>} : memref<32768xi32, #tpu.memory_space<vmem>>, vector<16xi32>,
      %add3A_622 = arith.constant 54000000 : i32
      %add3A_623 = vector.broadcast %add3A_622 : i32 to vector<16xi32>
      %add3A_624 = arith.addi %get3A_28, %add3A_623 : vector<16xi32>
      %mul3A_625 = arith.constant 16 : i32
      %mul3A_626 = arith.muli %scan3A_24, %mul3A_625 : i32
      %add3A_627 = arith.constant 27648 : i32
      %add3A_628 = arith.addi %add3A_627, %mul3A_626 : i32
      %swap3A_629 = arith.index_cast %add3A_628 : i32 to index
      %swap3A_630 = tpu.vector_load %arg7[%swap3A_629] {strides = array<i32>} : memref<32768xi32, #tpu.memory_space<vmem>>, vector<16xi32>,
      %swap3A_631 = vector.shape_cast %swap3A_630 : vector<16xi32> to vector<16xi32>
      %swap3A_632 = vector.shape_cast %add3A_624 : vector<16xi32> to vector<16xi32>
      tpu.vector_store %arg7[%swap3A_629], %swap3A_632 {strides = array<i32>} : memref<32768xi32, #tpu.memory_space<vmem>>, vector<16xi32>,
      %add3A_633 = arith.constant 55000000 : i32
      %add3A_634 = vector.broadcast %add3A_633 : i32 to vector<16xi32>
      %add3A_635 = arith.addi %get3A_28, %add3A_634 : vector<16xi32>
      %mul3A_636 = arith.constant 16 : i32
      %mul3A_637 = arith.muli %scan3A_24, %mul3A_636 : i32
      %add3A_638 = arith.constant 28160 : i32
      %add3A_639 = arith.addi %add3A_638, %mul3A_637 : i32
      %swap3A_640 = arith.index_cast %add3A_639 : i32 to index
      %swap3A_641 = tpu.vector_load %arg7[%swap3A_640] {strides = array<i32>} : memref<32768xi32, #tpu.memory_space<vmem>>, vector<16xi32>,
      %swap3A_642 = vector.shape_cast %swap3A_641 : vector<16xi32> to vector<16xi32>
      %swap3A_643 = vector.shape_cast %add3A_635 : vector<16xi32> to vector<16xi32>
      tpu.vector_store %arg7[%swap3A_640], %swap3A_643 {strides = array<i32>} : memref<32768xi32, #tpu.memory_space<vmem>>, vector<16xi32>,
      %add3A_644 = arith.constant 56000000 : i32
      %add3A_645 = vector.broadcast %add3A_644 : i32 to vector<16xi32>
      %add3A_646 = arith.addi %get3A_28, %add3A_645 : vector<16xi32>
      %mul3A_647 = arith.constant 16 : i32
      %mul3A_648 = arith.muli %scan3A_24, %mul3A_647 : i32
      %add3A_649 = arith.constant 28672 : i32
      %add3A_650 = arith.addi %add3A_649, %mul3A_648 : i32
      %swap3A_651 = arith.index_cast %add3A_650 : i32 to index
      %swap3A_652 = tpu.vector_load %arg7[%swap3A_651] {strides = array<i32>} : memref<32768xi32, #tpu.memory_space<vmem>>, vector<16xi32>,
      %swap3A_653 = vector.shape_cast %swap3A_652 : vector<16xi32> to vector<16xi32>
      %swap3A_654 = vector.shape_cast %add3A_646 : vector<16xi32> to vector<16xi32>
      tpu.vector_store %arg7[%swap3A_651], %swap3A_654 {strides = array<i32>} : memref<32768xi32, #tpu.memory_space<vmem>>, vector<16xi32>,
      %add3A_655 = arith.constant 57000000 : i32
      %add3A_656 = vector.broadcast %add3A_655 : i32 to vector<16xi32>
      %add3A_657 = arith.addi %get3A_28, %add3A_656 : vector<16xi32>
      %mul3A_658 = arith.constant 16 : i32
      %mul3A_659 = arith.muli %scan3A_24, %mul3A_658 : i32
      %add3A_660 = arith.constant 29184 : i32
      %add3A_661 = arith.addi %add3A_660, %mul3A_659 : i32
      %swap3A_662 = arith.index_cast %add3A_661 : i32 to index
      %swap3A_663 = tpu.vector_load %arg7[%swap3A_662] {strides = array<i32>} : memref<32768xi32, #tpu.memory_space<vmem>>, vector<16xi32>,
      %swap3A_664 = vector.shape_cast %swap3A_663 : vector<16xi32> to vector<16xi32>
      %swap3A_665 = vector.shape_cast %add3A_657 : vector<16xi32> to vector<16xi32>
      tpu.vector_store %arg7[%swap3A_662], %swap3A_665 {strides = array<i32>} : memref<32768xi32, #tpu.memory_space<vmem>>, vector<16xi32>,
      %add3A_666 = arith.constant 58000000 : i32
      %add3A_667 = vector.broadcast %add3A_666 : i32 to vector<16xi32>
      %add3A_668 = arith.addi %get3A_28, %add3A_667 : vector<16xi32>
      %mul3A_669 = arith.constant 16 : i32
      %mul3A_670 = arith.muli %scan3A_24, %mul3A_669 : i32
      %add3A_671 = arith.constant 29696 : i32
      %add3A_672 = arith.addi %add3A_671, %mul3A_670 : i32
      %swap3A_673 = arith.index_cast %add3A_672 : i32 to index
      %swap3A_674 = tpu.vector_load %arg7[%swap3A_673] {strides = array<i32>} : memref<32768xi32, #tpu.memory_space<vmem>>, vector<16xi32>,
      %swap3A_675 = vector.shape_cast %swap3A_674 : vector<16xi32> to vector<16xi32>
      %swap3A_676 = vector.shape_cast %add3A_668 : vector<16xi32> to vector<16xi32>
      tpu.vector_store %arg7[%swap3A_673], %swap3A_676 {strides = array<i32>} : memref<32768xi32, #tpu.memory_space<vmem>>, vector<16xi32>,
      %add3A_677 = arith.constant 59000000 : i32
      %add3A_678 = vector.broadcast %add3A_677 : i32 to vector<16xi32>
      %add3A_679 = arith.addi %get3A_28, %add3A_678 : vector<16xi32>
      %mul3A_680 = arith.constant 16 : i32
      %mul3A_681 = arith.muli %scan3A_24, %mul3A_680 : i32
      %add3A_682 = arith.constant 30208 : i32
      %add3A_683 = arith.addi %add3A_682, %mul3A_681 : i32
      %swap3A_684 = arith.index_cast %add3A_683 : i32 to index
      %swap3A_685 = tpu.vector_load %arg7[%swap3A_684] {strides = array<i32>} : memref<32768xi32, #tpu.memory_space<vmem>>, vector<16xi32>,
      %swap3A_686 = vector.shape_cast %swap3A_685 : vector<16xi32> to vector<16xi32>
      %swap3A_687 = vector.shape_cast %add3A_679 : vector<16xi32> to vector<16xi32>
      tpu.vector_store %arg7[%swap3A_684], %swap3A_687 {strides = array<i32>} : memref<32768xi32, #tpu.memory_space<vmem>>, vector<16xi32>,
      %add3A_688 = arith.constant 60000000 : i32
      %add3A_689 = vector.broadcast %add3A_688 : i32 to vector<16xi32>
      %add3A_690 = arith.addi %get3A_28, %add3A_689 : vector<16xi32>
      %mul3A_691 = arith.constant 16 : i32
      %mul3A_692 = arith.muli %scan3A_24, %mul3A_691 : i32
      %add3A_693 = arith.constant 30720 : i32
      %add3A_694 = arith.addi %add3A_693, %mul3A_692 : i32
      %swap3A_695 = arith.index_cast %add3A_694 : i32 to index
      %swap3A_696 = tpu.vector_load %arg7[%swap3A_695] {strides = array<i32>} : memref<32768xi32, #tpu.memory_space<vmem>>, vector<16xi32>,
      %swap3A_697 = vector.shape_cast %swap3A_696 : vector<16xi32> to vector<16xi32>
      %swap3A_698 = vector.shape_cast %add3A_690 : vector<16xi32> to vector<16xi32>
      tpu.vector_store %arg7[%swap3A_695], %swap3A_698 {strides = array<i32>} : memref<32768xi32, #tpu.memory_space<vmem>>, vector<16xi32>,
      %add3A_699 = arith.constant 61000000 : i32
      %add3A_700 = vector.broadcast %add3A_699 : i32 to vector<16xi32>
      %add3A_701 = arith.addi %get3A_28, %add3A_700 : vector<16xi32>
      %mul3A_702 = arith.constant 16 : i32
      %mul3A_703 = arith.muli %scan3A_24, %mul3A_702 : i32
      %add3A_704 = arith.constant 31232 : i32
      %add3A_705 = arith.addi %add3A_704, %mul3A_703 : i32
      %swap3A_706 = arith.index_cast %add3A_705 : i32 to index
      %swap3A_707 = tpu.vector_load %arg7[%swap3A_706] {strides = array<i32>} : memref<32768xi32, #tpu.memory_space<vmem>>, vector<16xi32>,
      %swap3A_708 = vector.shape_cast %swap3A_707 : vector<16xi32> to vector<16xi32>
      %swap3A_709 = vector.shape_cast %add3A_701 : vector<16xi32> to vector<16xi32>
      tpu.vector_store %arg7[%swap3A_706], %swap3A_709 {strides = array<i32>} : memref<32768xi32, #tpu.memory_space<vmem>>, vector<16xi32>,
      %add3A_710 = arith.constant 62000000 : i32
      %add3A_711 = vector.broadcast %add3A_710 : i32 to vector<16xi32>
      %add3A_712 = arith.addi %get3A_28, %add3A_711 : vector<16xi32>
      %mul3A_713 = arith.constant 16 : i32
      %mul3A_714 = arith.muli %scan3A_24, %mul3A_713 : i32
      %add3A_715 = arith.constant 31744 : i32
      %add3A_716 = arith.addi %add3A_715, %mul3A_714 : i32
      %swap3A_717 = arith.index_cast %add3A_716 : i32 to index
      %swap3A_718 = tpu.vector_load %arg7[%swap3A_717] {strides = array<i32>} : memref<32768xi32, #tpu.memory_space<vmem>>, vector<16xi32>,
      %swap3A_719 = vector.shape_cast %swap3A_718 : vector<16xi32> to vector<16xi32>
      %swap3A_720 = vector.shape_cast %add3A_712 : vector<16xi32> to vector<16xi32>
      tpu.vector_store %arg7[%swap3A_717], %swap3A_720 {strides = array<i32>} : memref<32768xi32, #tpu.memory_space<vmem>>, vector<16xi32>,
      %add3A_721 = arith.constant 63000000 : i32
      %add3A_722 = vector.broadcast %add3A_721 : i32 to vector<16xi32>
      %add3A_723 = arith.addi %get3A_28, %add3A_722 : vector<16xi32>
      %mul3A_724 = arith.constant 16 : i32
      %mul3A_725 = arith.muli %scan3A_24, %mul3A_724 : i32
      %add3A_726 = arith.constant 32256 : i32
      %add3A_727 = arith.addi %add3A_726, %mul3A_725 : i32
      %swap3A_728 = arith.index_cast %add3A_727 : i32 to index
      %swap3A_729 = tpu.vector_load %arg7[%swap3A_728] {strides = array<i32>} : memref<32768xi32, #tpu.memory_space<vmem>>, vector<16xi32>,
      %swap3A_730 = vector.shape_cast %swap3A_729 : vector<16xi32> to vector<16xi32>
      %swap3A_731 = vector.shape_cast %add3A_723 : vector<16xi32> to vector<16xi32>
      tpu.vector_store %arg7[%swap3A_728], %swap3A_731 {strides = array<i32>} : memref<32768xi32, #tpu.memory_space<vmem>>, vector<16xi32>,
    }
    %scan3A_10 = arith.constant 32 : i32
    %dma_start3A_11 = arith.constant 0 : i32
    %dma_start3A_12 = tpu.memref_slice %arg4[%dma_start3A_11] : memref<64000000xf32, #tpu.memory_space<hbm>> -> memref<64000000xf32, #tpu.memory_space<hbm>>
    tpu.enqueue_indirect_dma source(%dma_start3A_12 : memref<64000000xf32, #tpu.memory_space<hbm>>) target(%arg8 : memref<32768xf32, #tpu.memory_space<vmem>>) offsets(%arg7 : memref<32768xi32, #tpu.memory_space<vmem>>) semaphore(%arg11 : memref<!tpu.dma_semaphore, #tpu.memory_space<semaphore_mem>>)
    %dma_wait3A = arith.constant 0 : i32
    %dma_wait3A_13 = tpu.memref_slice %arg4[%dma_wait3A] : memref<64000000xf32, #tpu.memory_space<hbm>> -> memref<64000000xf32, #tpu.memory_space<hbm>>
    tpu.wait_indirect_dma semaphore(%arg11 : memref<!tpu.dma_semaphore, #tpu.memory_space<semaphore_mem>>) src(%dma_wait3A_13 : memref<64000000xf32, #tpu.memory_space<hbm>>) dst(%arg8 : memref<32768xf32, #tpu.memory_space<vmem>>)
    %dma_wait3A_14 = arith.constant 0 : i32
    %dma_wait3A_15 = tpu.memref_slice %arg3[%dma_wait3A_14, %mul3A_2] : memref<64x16384xf32, #tpu.memory_space<hbm>> -> memref<64x512xf32, #tpu.memory_space<hbm>>
    %dma_wait3A_16 = arith.constant 0 : i32
    %dma_wait3A_17 = tpu.memref_slice %arg3[%dma_wait3A_16, %mul3A_2] : memref<64x16384xf32, #tpu.memory_space<hbm>> -> memref<64x512xf32, #tpu.memory_space<hbm>>
    tpu.wait_dma2 semaphore(%arg12 : memref<!tpu.dma_semaphore, #tpu.memory_space<semaphore_mem>>) src(%dma_wait3A_17 : memref<64x512xf32, #tpu.memory_space<hbm>>) dst(%arg9 : memref<64x512xf32, #tpu.memory_space<vmem>>)
    %scan3A_18 = arith.constant 0 : i32
    %scan3A_19 = arith.constant 0 : i32
    %scan3A_20 = arith.constant 32 : i32
    %scan3A_21 = arith.addi %scan3A_19, %scan3A_20 : i32
    %scan3A_22 = arith.constant 1 : i32
    scf.for %scan3A_24 = %scan3A_19 to %scan3A_21 step %scan3A_22  : i32 {
      %broadcast_in_dim3A = arith.constant 0.000000e+00 : f32
      %broadcast_in_dim3A_25 = vector.broadcast %broadcast_in_dim3A : f32 to vector<16xf32>
      %mul3A_26 = arith.constant 16 : i32
      %mul3A_27 = arith.muli %scan3A_24, %mul3A_26 : i32
      %add3A_28 = arith.constant 0 : i32
      %add3A_29 = arith.addi %add3A_28, %mul3A_27 : i32
      %get3A = arith.index_cast %add3A_29 : i32 to index
      %get3A_30 = tpu.vector_load %arg8[%get3A] {strides = array<i32>} : memref<32768xf32, #tpu.memory_space<vmem>>, vector<16xf32>,
      %get3A_31 = vector.shape_cast %get3A_30 : vector<16xf32> to vector<16xf32>
      %mul3A_32 = arith.constant 16 : i32
      %mul3A_33 = arith.muli %scan3A_24, %mul3A_32 : i32
      %get3A_34 = arith.constant 0 : i32
      %get3A_35 = arith.index_cast %get3A_34 : i32 to index
      %get3A_36 = arith.index_cast %mul3A_33 : i32 to index
      %get3A_37 = tpu.vector_load %arg9[%get3A_35, %get3A_36] {strides = array<i32>} : memref<64x512xf32, #tpu.memory_space<vmem>>, vector<1x16xf32>,
      %get3A_38 = vector.shape_cast %get3A_37 : vector<1x16xf32> to vector<16xf32>
      %mul3A_39 = arith.mulf %get3A_31, %get3A_38 : vector<16xf32>
      %add3A_40 = arith.addf %broadcast_in_dim3A_25, %mul3A_39 : vector<16xf32>
      %mul3A_41 = arith.constant 16 : i32
      %mul3A_42 = arith.muli %scan3A_24, %mul3A_41 : i32
      %add3A_43 = arith.constant 512 : i32
      %add3A_44 = arith.addi %add3A_43, %mul3A_42 : i32
      %get3A_45 = arith.index_cast %add3A_44 : i32 to index
      %get3A_46 = tpu.vector_load %arg8[%get3A_45] {strides = array<i32>} : memref<32768xf32, #tpu.memory_space<vmem>>, vector<16xf32>,
      %get3A_47 = vector.shape_cast %get3A_46 : vector<16xf32> to vector<16xf32>
      %mul3A_48 = arith.constant 16 : i32
      %mul3A_49 = arith.muli %scan3A_24, %mul3A_48 : i32
      %get3A_50 = arith.constant 1 : i32
      %get3A_51 = arith.index_cast %get3A_50 : i32 to index
      %get3A_52 = arith.index_cast %mul3A_49 : i32 to index
      %get3A_53 = tpu.vector_load %arg9[%get3A_51, %get3A_52] {strides = array<i32>} : memref<64x512xf32, #tpu.memory_space<vmem>>, vector<1x16xf32>,
      %get3A_54 = vector.shape_cast %get3A_53 : vector<1x16xf32> to vector<16xf32>
      %mul3A_55 = arith.mulf %get3A_47, %get3A_54 : vector<16xf32>
      %add3A_56 = arith.addf %add3A_40, %mul3A_55 : vector<16xf32>
      %mul3A_57 = arith.constant 16 : i32
      %mul3A_58 = arith.muli %scan3A_24, %mul3A_57 : i32
      %add3A_59 = arith.constant 1024 : i32
      %add3A_60 = arith.addi %add3A_59, %mul3A_58 : i32
      %get3A_61 = arith.index_cast %add3A_60 : i32 to index
      %get3A_62 = tpu.vector_load %arg8[%get3A_61] {strides = array<i32>} : memref<32768xf32, #tpu.memory_space<vmem>>, vector<16xf32>,
      %get3A_63 = vector.shape_cast %get3A_62 : vector<16xf32> to vector<16xf32>
      %mul3A_64 = arith.constant 16 : i32
      %mul3A_65 = arith.muli %scan3A_24, %mul3A_64 : i32
      %get3A_66 = arith.constant 2 : i32
      %get3A_67 = arith.index_cast %get3A_66 : i32 to index
      %get3A_68 = arith.index_cast %mul3A_65 : i32 to index
      %get3A_69 = tpu.vector_load %arg9[%get3A_67, %get3A_68] {strides = array<i32>} : memref<64x512xf32, #tpu.memory_space<vmem>>, vector<1x16xf32>,
      %get3A_70 = vector.shape_cast %get3A_69 : vector<1x16xf32> to vector<16xf32>
      %mul3A_71 = arith.mulf %get3A_63, %get3A_70 : vector<16xf32>
      %add3A_72 = arith.addf %add3A_56, %mul3A_71 : vector<16xf32>
      %mul3A_73 = arith.constant 16 : i32
      %mul3A_74 = arith.muli %scan3A_24, %mul3A_73 : i32
      %add3A_75 = arith.constant 1536 : i32
      %add3A_76 = arith.addi %add3A_75, %mul3A_74 : i32
      %get3A_77 = arith.index_cast %add3A_76 : i32 to index
      %get3A_78 = tpu.vector_load %arg8[%get3A_77] {strides = array<i32>} : memref<32768xf32, #tpu.memory_space<vmem>>, vector<16xf32>,
      %get3A_79 = vector.shape_cast %get3A_78 : vector<16xf32> to vector<16xf32>
      %mul3A_80 = arith.constant 16 : i32
      %mul3A_81 = arith.muli %scan3A_24, %mul3A_80 : i32
      %get3A_82 = arith.constant 3 : i32
      %get3A_83 = arith.index_cast %get3A_82 : i32 to index
      %get3A_84 = arith.index_cast %mul3A_81 : i32 to index
      %get3A_85 = tpu.vector_load %arg9[%get3A_83, %get3A_84] {strides = array<i32>} : memref<64x512xf32, #tpu.memory_space<vmem>>, vector<1x16xf32>,
      %get3A_86 = vector.shape_cast %get3A_85 : vector<1x16xf32> to vector<16xf32>
      %mul3A_87 = arith.mulf %get3A_79, %get3A_86 : vector<16xf32>
      %add3A_88 = arith.addf %add3A_72, %mul3A_87 : vector<16xf32>
      %mul3A_89 = arith.constant 16 : i32
      %mul3A_90 = arith.muli %scan3A_24, %mul3A_89 : i32
      %add3A_91 = arith.constant 2048 : i32
      %add3A_92 = arith.addi %add3A_91, %mul3A_90 : i32
      %get3A_93 = arith.index_cast %add3A_92 : i32 to index
      %get3A_94 = tpu.vector_load %arg8[%get3A_93] {strides = array<i32>} : memref<32768xf32, #tpu.memory_space<vmem>>, vector<16xf32>,
      %get3A_95 = vector.shape_cast %get3A_94 : vector<16xf32> to vector<16xf32>
      %mul3A_96 = arith.constant 16 : i32
      %mul3A_97 = arith.muli %scan3A_24, %mul3A_96 : i32
      %get3A_98 = arith.constant 4 : i32
      %get3A_99 = arith.index_cast %get3A_98 : i32 to index
      %get3A_100 = arith.index_cast %mul3A_97 : i32 to index
      %get3A_101 = tpu.vector_load %arg9[%get3A_99, %get3A_100] {strides = array<i32>} : memref<64x512xf32, #tpu.memory_space<vmem>>, vector<1x16xf32>,
      %get3A_102 = vector.shape_cast %get3A_101 : vector<1x16xf32> to vector<16xf32>
      %mul3A_103 = arith.mulf %get3A_95, %get3A_102 : vector<16xf32>
      %add3A_104 = arith.addf %add3A_88, %mul3A_103 : vector<16xf32>
      %mul3A_105 = arith.constant 16 : i32
      %mul3A_106 = arith.muli %scan3A_24, %mul3A_105 : i32
      %add3A_107 = arith.constant 2560 : i32
      %add3A_108 = arith.addi %add3A_107, %mul3A_106 : i32
      %get3A_109 = arith.index_cast %add3A_108 : i32 to index
      %get3A_110 = tpu.vector_load %arg8[%get3A_109] {strides = array<i32>} : memref<32768xf32, #tpu.memory_space<vmem>>, vector<16xf32>,
      %get3A_111 = vector.shape_cast %get3A_110 : vector<16xf32> to vector<16xf32>
      %mul3A_112 = arith.constant 16 : i32
      %mul3A_113 = arith.muli %scan3A_24, %mul3A_112 : i32
      %get3A_114 = arith.constant 5 : i32
      %get3A_115 = arith.index_cast %get3A_114 : i32 to index
      %get3A_116 = arith.index_cast %mul3A_113 : i32 to index
      %get3A_117 = tpu.vector_load %arg9[%get3A_115, %get3A_116] {strides = array<i32>} : memref<64x512xf32, #tpu.memory_space<vmem>>, vector<1x16xf32>,
      %get3A_118 = vector.shape_cast %get3A_117 : vector<1x16xf32> to vector<16xf32>
      %mul3A_119 = arith.mulf %get3A_111, %get3A_118 : vector<16xf32>
      %add3A_120 = arith.addf %add3A_104, %mul3A_119 : vector<16xf32>
      %mul3A_121 = arith.constant 16 : i32
      %mul3A_122 = arith.muli %scan3A_24, %mul3A_121 : i32
      %add3A_123 = arith.constant 3072 : i32
      %add3A_124 = arith.addi %add3A_123, %mul3A_122 : i32
      %get3A_125 = arith.index_cast %add3A_124 : i32 to index
      %get3A_126 = tpu.vector_load %arg8[%get3A_125] {strides = array<i32>} : memref<32768xf32, #tpu.memory_space<vmem>>, vector<16xf32>,
      %get3A_127 = vector.shape_cast %get3A_126 : vector<16xf32> to vector<16xf32>
      %mul3A_128 = arith.constant 16 : i32
      %mul3A_129 = arith.muli %scan3A_24, %mul3A_128 : i32
      %get3A_130 = arith.constant 6 : i32
      %get3A_131 = arith.index_cast %get3A_130 : i32 to index
      %get3A_132 = arith.index_cast %mul3A_129 : i32 to index
      %get3A_133 = tpu.vector_load %arg9[%get3A_131, %get3A_132] {strides = array<i32>} : memref<64x512xf32, #tpu.memory_space<vmem>>, vector<1x16xf32>,
      %get3A_134 = vector.shape_cast %get3A_133 : vector<1x16xf32> to vector<16xf32>
      %mul3A_135 = arith.mulf %get3A_127, %get3A_134 : vector<16xf32>
      %add3A_136 = arith.addf %add3A_120, %mul3A_135 : vector<16xf32>
      %mul3A_137 = arith.constant 16 : i32
      %mul3A_138 = arith.muli %scan3A_24, %mul3A_137 : i32
      %add3A_139 = arith.constant 3584 : i32
      %add3A_140 = arith.addi %add3A_139, %mul3A_138 : i32
      %get3A_141 = arith.index_cast %add3A_140 : i32 to index
      %get3A_142 = tpu.vector_load %arg8[%get3A_141] {strides = array<i32>} : memref<32768xf32, #tpu.memory_space<vmem>>, vector<16xf32>,
      %get3A_143 = vector.shape_cast %get3A_142 : vector<16xf32> to vector<16xf32>
      %mul3A_144 = arith.constant 16 : i32
      %mul3A_145 = arith.muli %scan3A_24, %mul3A_144 : i32
      %get3A_146 = arith.constant 7 : i32
      %get3A_147 = arith.index_cast %get3A_146 : i32 to index
      %get3A_148 = arith.index_cast %mul3A_145 : i32 to index
      %get3A_149 = tpu.vector_load %arg9[%get3A_147, %get3A_148] {strides = array<i32>} : memref<64x512xf32, #tpu.memory_space<vmem>>, vector<1x16xf32>,
      %get3A_150 = vector.shape_cast %get3A_149 : vector<1x16xf32> to vector<16xf32>
      %mul3A_151 = arith.mulf %get3A_143, %get3A_150 : vector<16xf32>
      %add3A_152 = arith.addf %add3A_136, %mul3A_151 : vector<16xf32>
      %mul3A_153 = arith.constant 16 : i32
      %mul3A_154 = arith.muli %scan3A_24, %mul3A_153 : i32
      %add3A_155 = arith.constant 4096 : i32
      %add3A_156 = arith.addi %add3A_155, %mul3A_154 : i32
      %get3A_157 = arith.index_cast %add3A_156 : i32 to index
      %get3A_158 = tpu.vector_load %arg8[%get3A_157] {strides = array<i32>} : memref<32768xf32, #tpu.memory_space<vmem>>, vector<16xf32>,
      %get3A_159 = vector.shape_cast %get3A_158 : vector<16xf32> to vector<16xf32>
      %mul3A_160 = arith.constant 16 : i32
      %mul3A_161 = arith.muli %scan3A_24, %mul3A_160 : i32
      %get3A_162 = arith.constant 8 : i32
      %get3A_163 = arith.index_cast %get3A_162 : i32 to index
      %get3A_164 = arith.index_cast %mul3A_161 : i32 to index
      %get3A_165 = tpu.vector_load %arg9[%get3A_163, %get3A_164] {strides = array<i32>} : memref<64x512xf32, #tpu.memory_space<vmem>>, vector<1x16xf32>,
      %get3A_166 = vector.shape_cast %get3A_165 : vector<1x16xf32> to vector<16xf32>
      %mul3A_167 = arith.mulf %get3A_159, %get3A_166 : vector<16xf32>
      %add3A_168 = arith.addf %add3A_152, %mul3A_167 : vector<16xf32>
      %mul3A_169 = arith.constant 16 : i32
      %mul3A_170 = arith.muli %scan3A_24, %mul3A_169 : i32
      %add3A_171 = arith.constant 4608 : i32
      %add3A_172 = arith.addi %add3A_171, %mul3A_170 : i32
      %get3A_173 = arith.index_cast %add3A_172 : i32 to index
      %get3A_174 = tpu.vector_load %arg8[%get3A_173] {strides = array<i32>} : memref<32768xf32, #tpu.memory_space<vmem>>, vector<16xf32>,
      %get3A_175 = vector.shape_cast %get3A_174 : vector<16xf32> to vector<16xf32>
      %mul3A_176 = arith.constant 16 : i32
      %mul3A_177 = arith.muli %scan3A_24, %mul3A_176 : i32
      %get3A_178 = arith.constant 9 : i32
      %get3A_179 = arith.index_cast %get3A_178 : i32 to index
      %get3A_180 = arith.index_cast %mul3A_177 : i32 to index
      %get3A_181 = tpu.vector_load %arg9[%get3A_179, %get3A_180] {strides = array<i32>} : memref<64x512xf32, #tpu.memory_space<vmem>>, vector<1x16xf32>,
      %get3A_182 = vector.shape_cast %get3A_181 : vector<1x16xf32> to vector<16xf32>
      %mul3A_183 = arith.mulf %get3A_175, %get3A_182 : vector<16xf32>
      %add3A_184 = arith.addf %add3A_168, %mul3A_183 : vector<16xf32>
      %mul3A_185 = arith.constant 16 : i32
      %mul3A_186 = arith.muli %scan3A_24, %mul3A_185 : i32
      %add3A_187 = arith.constant 5120 : i32
      %add3A_188 = arith.addi %add3A_187, %mul3A_186 : i32
      %get3A_189 = arith.index_cast %add3A_188 : i32 to index
      %get3A_190 = tpu.vector_load %arg8[%get3A_189] {strides = array<i32>} : memref<32768xf32, #tpu.memory_space<vmem>>, vector<16xf32>,
      %get3A_191 = vector.shape_cast %get3A_190 : vector<16xf32> to vector<16xf32>
      %mul3A_192 = arith.constant 16 : i32
      %mul3A_193 = arith.muli %scan3A_24, %mul3A_192 : i32
      %get3A_194 = arith.constant 10 : i32
      %get3A_195 = arith.index_cast %get3A_194 : i32 to index
      %get3A_196 = arith.index_cast %mul3A_193 : i32 to index
      %get3A_197 = tpu.vector_load %arg9[%get3A_195, %get3A_196] {strides = array<i32>} : memref<64x512xf32, #tpu.memory_space<vmem>>, vector<1x16xf32>,
      %get3A_198 = vector.shape_cast %get3A_197 : vector<1x16xf32> to vector<16xf32>
      %mul3A_199 = arith.mulf %get3A_191, %get3A_198 : vector<16xf32>
      %add3A_200 = arith.addf %add3A_184, %mul3A_199 : vector<16xf32>
      %mul3A_201 = arith.constant 16 : i32
      %mul3A_202 = arith.muli %scan3A_24, %mul3A_201 : i32
      %add3A_203 = arith.constant 5632 : i32
      %add3A_204 = arith.addi %add3A_203, %mul3A_202 : i32
      %get3A_205 = arith.index_cast %add3A_204 : i32 to index
      %get3A_206 = tpu.vector_load %arg8[%get3A_205] {strides = array<i32>} : memref<32768xf32, #tpu.memory_space<vmem>>, vector<16xf32>,
      %get3A_207 = vector.shape_cast %get3A_206 : vector<16xf32> to vector<16xf32>
      %mul3A_208 = arith.constant 16 : i32
      %mul3A_209 = arith.muli %scan3A_24, %mul3A_208 : i32
      %get3A_210 = arith.constant 11 : i32
      %get3A_211 = arith.index_cast %get3A_210 : i32 to index
      %get3A_212 = arith.index_cast %mul3A_209 : i32 to index
      %get3A_213 = tpu.vector_load %arg9[%get3A_211, %get3A_212] {strides = array<i32>} : memref<64x512xf32, #tpu.memory_space<vmem>>, vector<1x16xf32>,
      %get3A_214 = vector.shape_cast %get3A_213 : vector<1x16xf32> to vector<16xf32>
      %mul3A_215 = arith.mulf %get3A_207, %get3A_214 : vector<16xf32>
      %add3A_216 = arith.addf %add3A_200, %mul3A_215 : vector<16xf32>
      %mul3A_217 = arith.constant 16 : i32
      %mul3A_218 = arith.muli %scan3A_24, %mul3A_217 : i32
      %add3A_219 = arith.constant 6144 : i32
      %add3A_220 = arith.addi %add3A_219, %mul3A_218 : i32
      %get3A_221 = arith.index_cast %add3A_220 : i32 to index
      %get3A_222 = tpu.vector_load %arg8[%get3A_221] {strides = array<i32>} : memref<32768xf32, #tpu.memory_space<vmem>>, vector<16xf32>,
      %get3A_223 = vector.shape_cast %get3A_222 : vector<16xf32> to vector<16xf32>
      %mul3A_224 = arith.constant 16 : i32
      %mul3A_225 = arith.muli %scan3A_24, %mul3A_224 : i32
      %get3A_226 = arith.constant 12 : i32
      %get3A_227 = arith.index_cast %get3A_226 : i32 to index
      %get3A_228 = arith.index_cast %mul3A_225 : i32 to index
      %get3A_229 = tpu.vector_load %arg9[%get3A_227, %get3A_228] {strides = array<i32>} : memref<64x512xf32, #tpu.memory_space<vmem>>, vector<1x16xf32>,
      %get3A_230 = vector.shape_cast %get3A_229 : vector<1x16xf32> to vector<16xf32>
      %mul3A_231 = arith.mulf %get3A_223, %get3A_230 : vector<16xf32>
      %add3A_232 = arith.addf %add3A_216, %mul3A_231 : vector<16xf32>
      %mul3A_233 = arith.constant 16 : i32
      %mul3A_234 = arith.muli %scan3A_24, %mul3A_233 : i32
      %add3A_235 = arith.constant 6656 : i32
      %add3A_236 = arith.addi %add3A_235, %mul3A_234 : i32
      %get3A_237 = arith.index_cast %add3A_236 : i32 to index
      %get3A_238 = tpu.vector_load %arg8[%get3A_237] {strides = array<i32>} : memref<32768xf32, #tpu.memory_space<vmem>>, vector<16xf32>,
      %get3A_239 = vector.shape_cast %get3A_238 : vector<16xf32> to vector<16xf32>
      %mul3A_240 = arith.constant 16 : i32
      %mul3A_241 = arith.muli %scan3A_24, %mul3A_240 : i32
      %get3A_242 = arith.constant 13 : i32
      %get3A_243 = arith.index_cast %get3A_242 : i32 to index
      %get3A_244 = arith.index_cast %mul3A_241 : i32 to index
      %get3A_245 = tpu.vector_load %arg9[%get3A_243, %get3A_244] {strides = array<i32>} : memref<64x512xf32, #tpu.memory_space<vmem>>, vector<1x16xf32>,
      %get3A_246 = vector.shape_cast %get3A_245 : vector<1x16xf32> to vector<16xf32>
      %mul3A_247 = arith.mulf %get3A_239, %get3A_246 : vector<16xf32>
      %add3A_248 = arith.addf %add3A_232, %mul3A_247 : vector<16xf32>
      %mul3A_249 = arith.constant 16 : i32
      %mul3A_250 = arith.muli %scan3A_24, %mul3A_249 : i32
      %add3A_251 = arith.constant 7168 : i32
      %add3A_252 = arith.addi %add3A_251, %mul3A_250 : i32
      %get3A_253 = arith.index_cast %add3A_252 : i32 to index
      %get3A_254 = tpu.vector_load %arg8[%get3A_253] {strides = array<i32>} : memref<32768xf32, #tpu.memory_space<vmem>>, vector<16xf32>,
      %get3A_255 = vector.shape_cast %get3A_254 : vector<16xf32> to vector<16xf32>
      %mul3A_256 = arith.constant 16 : i32
      %mul3A_257 = arith.muli %scan3A_24, %mul3A_256 : i32
      %get3A_258 = arith.constant 14 : i32
      %get3A_259 = arith.index_cast %get3A_258 : i32 to index
      %get3A_260 = arith.index_cast %mul3A_257 : i32 to index
      %get3A_261 = tpu.vector_load %arg9[%get3A_259, %get3A_260] {strides = array<i32>} : memref<64x512xf32, #tpu.memory_space<vmem>>, vector<1x16xf32>,
      %get3A_262 = vector.shape_cast %get3A_261 : vector<1x16xf32> to vector<16xf32>
      %mul3A_263 = arith.mulf %get3A_255, %get3A_262 : vector<16xf32>
      %add3A_264 = arith.addf %add3A_248, %mul3A_263 : vector<16xf32>
      %mul3A_265 = arith.constant 16 : i32
      %mul3A_266 = arith.muli %scan3A_24, %mul3A_265 : i32
      %add3A_267 = arith.constant 7680 : i32
      %add3A_268 = arith.addi %add3A_267, %mul3A_266 : i32
      %get3A_269 = arith.index_cast %add3A_268 : i32 to index
      %get3A_270 = tpu.vector_load %arg8[%get3A_269] {strides = array<i32>} : memref<32768xf32, #tpu.memory_space<vmem>>, vector<16xf32>,
      %get3A_271 = vector.shape_cast %get3A_270 : vector<16xf32> to vector<16xf32>
      %mul3A_272 = arith.constant 16 : i32
      %mul3A_273 = arith.muli %scan3A_24, %mul3A_272 : i32
      %get3A_274 = arith.constant 15 : i32
      %get3A_275 = arith.index_cast %get3A_274 : i32 to index
      %get3A_276 = arith.index_cast %mul3A_273 : i32 to index
      %get3A_277 = tpu.vector_load %arg9[%get3A_275, %get3A_276] {strides = array<i32>} : memref<64x512xf32, #tpu.memory_space<vmem>>, vector<1x16xf32>,
      %get3A_278 = vector.shape_cast %get3A_277 : vector<1x16xf32> to vector<16xf32>
      %mul3A_279 = arith.mulf %get3A_271, %get3A_278 : vector<16xf32>
      %add3A_280 = arith.addf %add3A_264, %mul3A_279 : vector<16xf32>
      %mul3A_281 = arith.constant 16 : i32
      %mul3A_282 = arith.muli %scan3A_24, %mul3A_281 : i32
      %add3A_283 = arith.constant 8192 : i32
      %add3A_284 = arith.addi %add3A_283, %mul3A_282 : i32
      %get3A_285 = arith.index_cast %add3A_284 : i32 to index
      %get3A_286 = tpu.vector_load %arg8[%get3A_285] {strides = array<i32>} : memref<32768xf32, #tpu.memory_space<vmem>>, vector<16xf32>,
      %get3A_287 = vector.shape_cast %get3A_286 : vector<16xf32> to vector<16xf32>
      %mul3A_288 = arith.constant 16 : i32
      %mul3A_289 = arith.muli %scan3A_24, %mul3A_288 : i32
      %get3A_290 = arith.constant 16 : i32
      %get3A_291 = arith.index_cast %get3A_290 : i32 to index
      %get3A_292 = arith.index_cast %mul3A_289 : i32 to index
      %get3A_293 = tpu.vector_load %arg9[%get3A_291, %get3A_292] {strides = array<i32>} : memref<64x512xf32, #tpu.memory_space<vmem>>, vector<1x16xf32>,
      %get3A_294 = vector.shape_cast %get3A_293 : vector<1x16xf32> to vector<16xf32>
      %mul3A_295 = arith.mulf %get3A_287, %get3A_294 : vector<16xf32>
      %add3A_296 = arith.addf %add3A_280, %mul3A_295 : vector<16xf32>
      %mul3A_297 = arith.constant 16 : i32
      %mul3A_298 = arith.muli %scan3A_24, %mul3A_297 : i32
      %add3A_299 = arith.constant 8704 : i32
      %add3A_300 = arith.addi %add3A_299, %mul3A_298 : i32
      %get3A_301 = arith.index_cast %add3A_300 : i32 to index
      %get3A_302 = tpu.vector_load %arg8[%get3A_301] {strides = array<i32>} : memref<32768xf32, #tpu.memory_space<vmem>>, vector<16xf32>,
      %get3A_303 = vector.shape_cast %get3A_302 : vector<16xf32> to vector<16xf32>
      %mul3A_304 = arith.constant 16 : i32
      %mul3A_305 = arith.muli %scan3A_24, %mul3A_304 : i32
      %get3A_306 = arith.constant 17 : i32
      %get3A_307 = arith.index_cast %get3A_306 : i32 to index
      %get3A_308 = arith.index_cast %mul3A_305 : i32 to index
      %get3A_309 = tpu.vector_load %arg9[%get3A_307, %get3A_308] {strides = array<i32>} : memref<64x512xf32, #tpu.memory_space<vmem>>, vector<1x16xf32>,
      %get3A_310 = vector.shape_cast %get3A_309 : vector<1x16xf32> to vector<16xf32>
      %mul3A_311 = arith.mulf %get3A_303, %get3A_310 : vector<16xf32>
      %add3A_312 = arith.addf %add3A_296, %mul3A_311 : vector<16xf32>
      %mul3A_313 = arith.constant 16 : i32
      %mul3A_314 = arith.muli %scan3A_24, %mul3A_313 : i32
      %add3A_315 = arith.constant 9216 : i32
      %add3A_316 = arith.addi %add3A_315, %mul3A_314 : i32
      %get3A_317 = arith.index_cast %add3A_316 : i32 to index
      %get3A_318 = tpu.vector_load %arg8[%get3A_317] {strides = array<i32>} : memref<32768xf32, #tpu.memory_space<vmem>>, vector<16xf32>,
      %get3A_319 = vector.shape_cast %get3A_318 : vector<16xf32> to vector<16xf32>
      %mul3A_320 = arith.constant 16 : i32
      %mul3A_321 = arith.muli %scan3A_24, %mul3A_320 : i32
      %get3A_322 = arith.constant 18 : i32
      %get3A_323 = arith.index_cast %get3A_322 : i32 to index
      %get3A_324 = arith.index_cast %mul3A_321 : i32 to index
      %get3A_325 = tpu.vector_load %arg9[%get3A_323, %get3A_324] {strides = array<i32>} : memref<64x512xf32, #tpu.memory_space<vmem>>, vector<1x16xf32>,
      %get3A_326 = vector.shape_cast %get3A_325 : vector<1x16xf32> to vector<16xf32>
      %mul3A_327 = arith.mulf %get3A_319, %get3A_326 : vector<16xf32>
      %add3A_328 = arith.addf %add3A_312, %mul3A_327 : vector<16xf32>
      %mul3A_329 = arith.constant 16 : i32
      %mul3A_330 = arith.muli %scan3A_24, %mul3A_329 : i32
      %add3A_331 = arith.constant 9728 : i32
      %add3A_332 = arith.addi %add3A_331, %mul3A_330 : i32
      %get3A_333 = arith.index_cast %add3A_332 : i32 to index
      %get3A_334 = tpu.vector_load %arg8[%get3A_333] {strides = array<i32>} : memref<32768xf32, #tpu.memory_space<vmem>>, vector<16xf32>,
      %get3A_335 = vector.shape_cast %get3A_334 : vector<16xf32> to vector<16xf32>
      %mul3A_336 = arith.constant 16 : i32
      %mul3A_337 = arith.muli %scan3A_24, %mul3A_336 : i32
      %get3A_338 = arith.constant 19 : i32
      %get3A_339 = arith.index_cast %get3A_338 : i32 to index
      %get3A_340 = arith.index_cast %mul3A_337 : i32 to index
      %get3A_341 = tpu.vector_load %arg9[%get3A_339, %get3A_340] {strides = array<i32>} : memref<64x512xf32, #tpu.memory_space<vmem>>, vector<1x16xf32>,
      %get3A_342 = vector.shape_cast %get3A_341 : vector<1x16xf32> to vector<16xf32>
      %mul3A_343 = arith.mulf %get3A_335, %get3A_342 : vector<16xf32>
      %add3A_344 = arith.addf %add3A_328, %mul3A_343 : vector<16xf32>
      %mul3A_345 = arith.constant 16 : i32
      %mul3A_346 = arith.muli %scan3A_24, %mul3A_345 : i32
      %add3A_347 = arith.constant 10240 : i32
      %add3A_348 = arith.addi %add3A_347, %mul3A_346 : i32
      %get3A_349 = arith.index_cast %add3A_348 : i32 to index
      %get3A_350 = tpu.vector_load %arg8[%get3A_349] {strides = array<i32>} : memref<32768xf32, #tpu.memory_space<vmem>>, vector<16xf32>,
      %get3A_351 = vector.shape_cast %get3A_350 : vector<16xf32> to vector<16xf32>
      %mul3A_352 = arith.constant 16 : i32
      %mul3A_353 = arith.muli %scan3A_24, %mul3A_352 : i32
      %get3A_354 = arith.constant 20 : i32
      %get3A_355 = arith.index_cast %get3A_354 : i32 to index
      %get3A_356 = arith.index_cast %mul3A_353 : i32 to index
      %get3A_357 = tpu.vector_load %arg9[%get3A_355, %get3A_356] {strides = array<i32>} : memref<64x512xf32, #tpu.memory_space<vmem>>, vector<1x16xf32>,
      %get3A_358 = vector.shape_cast %get3A_357 : vector<1x16xf32> to vector<16xf32>
      %mul3A_359 = arith.mulf %get3A_351, %get3A_358 : vector<16xf32>
      %add3A_360 = arith.addf %add3A_344, %mul3A_359 : vector<16xf32>
      %mul3A_361 = arith.constant 16 : i32
      %mul3A_362 = arith.muli %scan3A_24, %mul3A_361 : i32
      %add3A_363 = arith.constant 10752 : i32
      %add3A_364 = arith.addi %add3A_363, %mul3A_362 : i32
      %get3A_365 = arith.index_cast %add3A_364 : i32 to index
      %get3A_366 = tpu.vector_load %arg8[%get3A_365] {strides = array<i32>} : memref<32768xf32, #tpu.memory_space<vmem>>, vector<16xf32>,
      %get3A_367 = vector.shape_cast %get3A_366 : vector<16xf32> to vector<16xf32>
      %mul3A_368 = arith.constant 16 : i32
      %mul3A_369 = arith.muli %scan3A_24, %mul3A_368 : i32
      %get3A_370 = arith.constant 21 : i32
      %get3A_371 = arith.index_cast %get3A_370 : i32 to index
      %get3A_372 = arith.index_cast %mul3A_369 : i32 to index
      %get3A_373 = tpu.vector_load %arg9[%get3A_371, %get3A_372] {strides = array<i32>} : memref<64x512xf32, #tpu.memory_space<vmem>>, vector<1x16xf32>,
      %get3A_374 = vector.shape_cast %get3A_373 : vector<1x16xf32> to vector<16xf32>
      %mul3A_375 = arith.mulf %get3A_367, %get3A_374 : vector<16xf32>
      %add3A_376 = arith.addf %add3A_360, %mul3A_375 : vector<16xf32>
      %mul3A_377 = arith.constant 16 : i32
      %mul3A_378 = arith.muli %scan3A_24, %mul3A_377 : i32
      %add3A_379 = arith.constant 11264 : i32
      %add3A_380 = arith.addi %add3A_379, %mul3A_378 : i32
      %get3A_381 = arith.index_cast %add3A_380 : i32 to index
      %get3A_382 = tpu.vector_load %arg8[%get3A_381] {strides = array<i32>} : memref<32768xf32, #tpu.memory_space<vmem>>, vector<16xf32>,
      %get3A_383 = vector.shape_cast %get3A_382 : vector<16xf32> to vector<16xf32>
      %mul3A_384 = arith.constant 16 : i32
      %mul3A_385 = arith.muli %scan3A_24, %mul3A_384 : i32
      %get3A_386 = arith.constant 22 : i32
      %get3A_387 = arith.index_cast %get3A_386 : i32 to index
      %get3A_388 = arith.index_cast %mul3A_385 : i32 to index
      %get3A_389 = tpu.vector_load %arg9[%get3A_387, %get3A_388] {strides = array<i32>} : memref<64x512xf32, #tpu.memory_space<vmem>>, vector<1x16xf32>,
      %get3A_390 = vector.shape_cast %get3A_389 : vector<1x16xf32> to vector<16xf32>
      %mul3A_391 = arith.mulf %get3A_383, %get3A_390 : vector<16xf32>
      %add3A_392 = arith.addf %add3A_376, %mul3A_391 : vector<16xf32>
      %mul3A_393 = arith.constant 16 : i32
      %mul3A_394 = arith.muli %scan3A_24, %mul3A_393 : i32
      %add3A_395 = arith.constant 11776 : i32
      %add3A_396 = arith.addi %add3A_395, %mul3A_394 : i32
      %get3A_397 = arith.index_cast %add3A_396 : i32 to index
      %get3A_398 = tpu.vector_load %arg8[%get3A_397] {strides = array<i32>} : memref<32768xf32, #tpu.memory_space<vmem>>, vector<16xf32>,
      %get3A_399 = vector.shape_cast %get3A_398 : vector<16xf32> to vector<16xf32>
      %mul3A_400 = arith.constant 16 : i32
      %mul3A_401 = arith.muli %scan3A_24, %mul3A_400 : i32
      %get3A_402 = arith.constant 23 : i32
      %get3A_403 = arith.index_cast %get3A_402 : i32 to index
      %get3A_404 = arith.index_cast %mul3A_401 : i32 to index
      %get3A_405 = tpu.vector_load %arg9[%get3A_403, %get3A_404] {strides = array<i32>} : memref<64x512xf32, #tpu.memory_space<vmem>>, vector<1x16xf32>,
      %get3A_406 = vector.shape_cast %get3A_405 : vector<1x16xf32> to vector<16xf32>
      %mul3A_407 = arith.mulf %get3A_399, %get3A_406 : vector<16xf32>
      %add3A_408 = arith.addf %add3A_392, %mul3A_407 : vector<16xf32>
      %mul3A_409 = arith.constant 16 : i32
      %mul3A_410 = arith.muli %scan3A_24, %mul3A_409 : i32
      %add3A_411 = arith.constant 12288 : i32
      %add3A_412 = arith.addi %add3A_411, %mul3A_410 : i32
      %get3A_413 = arith.index_cast %add3A_412 : i32 to index
      %get3A_414 = tpu.vector_load %arg8[%get3A_413] {strides = array<i32>} : memref<32768xf32, #tpu.memory_space<vmem>>, vector<16xf32>,
      %get3A_415 = vector.shape_cast %get3A_414 : vector<16xf32> to vector<16xf32>
      %mul3A_416 = arith.constant 16 : i32
      %mul3A_417 = arith.muli %scan3A_24, %mul3A_416 : i32
      %get3A_418 = arith.constant 24 : i32
      %get3A_419 = arith.index_cast %get3A_418 : i32 to index
      %get3A_420 = arith.index_cast %mul3A_417 : i32 to index
      %get3A_421 = tpu.vector_load %arg9[%get3A_419, %get3A_420] {strides = array<i32>} : memref<64x512xf32, #tpu.memory_space<vmem>>, vector<1x16xf32>,
      %get3A_422 = vector.shape_cast %get3A_421 : vector<1x16xf32> to vector<16xf32>
      %mul3A_423 = arith.mulf %get3A_415, %get3A_422 : vector<16xf32>
      %add3A_424 = arith.addf %add3A_408, %mul3A_423 : vector<16xf32>
      %mul3A_425 = arith.constant 16 : i32
      %mul3A_426 = arith.muli %scan3A_24, %mul3A_425 : i32
      %add3A_427 = arith.constant 12800 : i32
      %add3A_428 = arith.addi %add3A_427, %mul3A_426 : i32
      %get3A_429 = arith.index_cast %add3A_428 : i32 to index
      %get3A_430 = tpu.vector_load %arg8[%get3A_429] {strides = array<i32>} : memref<32768xf32, #tpu.memory_space<vmem>>, vector<16xf32>,
      %get3A_431 = vector.shape_cast %get3A_430 : vector<16xf32> to vector<16xf32>
      %mul3A_432 = arith.constant 16 : i32
      %mul3A_433 = arith.muli %scan3A_24, %mul3A_432 : i32
      %get3A_434 = arith.constant 25 : i32
      %get3A_435 = arith.index_cast %get3A_434 : i32 to index
      %get3A_436 = arith.index_cast %mul3A_433 : i32 to index
      %get3A_437 = tpu.vector_load %arg9[%get3A_435, %get3A_436] {strides = array<i32>} : memref<64x512xf32, #tpu.memory_space<vmem>>, vector<1x16xf32>,
      %get3A_438 = vector.shape_cast %get3A_437 : vector<1x16xf32> to vector<16xf32>
      %mul3A_439 = arith.mulf %get3A_431, %get3A_438 : vector<16xf32>
      %add3A_440 = arith.addf %add3A_424, %mul3A_439 : vector<16xf32>
      %mul3A_441 = arith.constant 16 : i32
      %mul3A_442 = arith.muli %scan3A_24, %mul3A_441 : i32
      %add3A_443 = arith.constant 13312 : i32
      %add3A_444 = arith.addi %add3A_443, %mul3A_442 : i32
      %get3A_445 = arith.index_cast %add3A_444 : i32 to index
      %get3A_446 = tpu.vector_load %arg8[%get3A_445] {strides = array<i32>} : memref<32768xf32, #tpu.memory_space<vmem>>, vector<16xf32>,
      %get3A_447 = vector.shape_cast %get3A_446 : vector<16xf32> to vector<16xf32>
      %mul3A_448 = arith.constant 16 : i32
      %mul3A_449 = arith.muli %scan3A_24, %mul3A_448 : i32
      %get3A_450 = arith.constant 26 : i32
      %get3A_451 = arith.index_cast %get3A_450 : i32 to index
      %get3A_452 = arith.index_cast %mul3A_449 : i32 to index
      %get3A_453 = tpu.vector_load %arg9[%get3A_451, %get3A_452] {strides = array<i32>} : memref<64x512xf32, #tpu.memory_space<vmem>>, vector<1x16xf32>,
      %get3A_454 = vector.shape_cast %get3A_453 : vector<1x16xf32> to vector<16xf32>
      %mul3A_455 = arith.mulf %get3A_447, %get3A_454 : vector<16xf32>
      %add3A_456 = arith.addf %add3A_440, %mul3A_455 : vector<16xf32>
      %mul3A_457 = arith.constant 16 : i32
      %mul3A_458 = arith.muli %scan3A_24, %mul3A_457 : i32
      %add3A_459 = arith.constant 13824 : i32
      %add3A_460 = arith.addi %add3A_459, %mul3A_458 : i32
      %get3A_461 = arith.index_cast %add3A_460 : i32 to index
      %get3A_462 = tpu.vector_load %arg8[%get3A_461] {strides = array<i32>} : memref<32768xf32, #tpu.memory_space<vmem>>, vector<16xf32>,
      %get3A_463 = vector.shape_cast %get3A_462 : vector<16xf32> to vector<16xf32>
      %mul3A_464 = arith.constant 16 : i32
      %mul3A_465 = arith.muli %scan3A_24, %mul3A_464 : i32
      %get3A_466 = arith.constant 27 : i32
      %get3A_467 = arith.index_cast %get3A_466 : i32 to index
      %get3A_468 = arith.index_cast %mul3A_465 : i32 to index
      %get3A_469 = tpu.vector_load %arg9[%get3A_467, %get3A_468] {strides = array<i32>} : memref<64x512xf32, #tpu.memory_space<vmem>>, vector<1x16xf32>,
      %get3A_470 = vector.shape_cast %get3A_469 : vector<1x16xf32> to vector<16xf32>
      %mul3A_471 = arith.mulf %get3A_463, %get3A_470 : vector<16xf32>
      %add3A_472 = arith.addf %add3A_456, %mul3A_471 : vector<16xf32>
      %mul3A_473 = arith.constant 16 : i32
      %mul3A_474 = arith.muli %scan3A_24, %mul3A_473 : i32
      %add3A_475 = arith.constant 14336 : i32
      %add3A_476 = arith.addi %add3A_475, %mul3A_474 : i32
      %get3A_477 = arith.index_cast %add3A_476 : i32 to index
      %get3A_478 = tpu.vector_load %arg8[%get3A_477] {strides = array<i32>} : memref<32768xf32, #tpu.memory_space<vmem>>, vector<16xf32>,
      %get3A_479 = vector.shape_cast %get3A_478 : vector<16xf32> to vector<16xf32>
      %mul3A_480 = arith.constant 16 : i32
      %mul3A_481 = arith.muli %scan3A_24, %mul3A_480 : i32
      %get3A_482 = arith.constant 28 : i32
      %get3A_483 = arith.index_cast %get3A_482 : i32 to index
      %get3A_484 = arith.index_cast %mul3A_481 : i32 to index
      %get3A_485 = tpu.vector_load %arg9[%get3A_483, %get3A_484] {strides = array<i32>} : memref<64x512xf32, #tpu.memory_space<vmem>>, vector<1x16xf32>,
      %get3A_486 = vector.shape_cast %get3A_485 : vector<1x16xf32> to vector<16xf32>
      %mul3A_487 = arith.mulf %get3A_479, %get3A_486 : vector<16xf32>
      %add3A_488 = arith.addf %add3A_472, %mul3A_487 : vector<16xf32>
      %mul3A_489 = arith.constant 16 : i32
      %mul3A_490 = arith.muli %scan3A_24, %mul3A_489 : i32
      %add3A_491 = arith.constant 14848 : i32
      %add3A_492 = arith.addi %add3A_491, %mul3A_490 : i32
      %get3A_493 = arith.index_cast %add3A_492 : i32 to index
      %get3A_494 = tpu.vector_load %arg8[%get3A_493] {strides = array<i32>} : memref<32768xf32, #tpu.memory_space<vmem>>, vector<16xf32>,
      %get3A_495 = vector.shape_cast %get3A_494 : vector<16xf32> to vector<16xf32>
      %mul3A_496 = arith.constant 16 : i32
      %mul3A_497 = arith.muli %scan3A_24, %mul3A_496 : i32
      %get3A_498 = arith.constant 29 : i32
      %get3A_499 = arith.index_cast %get3A_498 : i32 to index
      %get3A_500 = arith.index_cast %mul3A_497 : i32 to index
      %get3A_501 = tpu.vector_load %arg9[%get3A_499, %get3A_500] {strides = array<i32>} : memref<64x512xf32, #tpu.memory_space<vmem>>, vector<1x16xf32>,
      %get3A_502 = vector.shape_cast %get3A_501 : vector<1x16xf32> to vector<16xf32>
      %mul3A_503 = arith.mulf %get3A_495, %get3A_502 : vector<16xf32>
      %add3A_504 = arith.addf %add3A_488, %mul3A_503 : vector<16xf32>
      %mul3A_505 = arith.constant 16 : i32
      %mul3A_506 = arith.muli %scan3A_24, %mul3A_505 : i32
      %add3A_507 = arith.constant 15360 : i32
      %add3A_508 = arith.addi %add3A_507, %mul3A_506 : i32
      %get3A_509 = arith.index_cast %add3A_508 : i32 to index
      %get3A_510 = tpu.vector_load %arg8[%get3A_509] {strides = array<i32>} : memref<32768xf32, #tpu.memory_space<vmem>>, vector<16xf32>,
      %get3A_511 = vector.shape_cast %get3A_510 : vector<16xf32> to vector<16xf32>
      %mul3A_512 = arith.constant 16 : i32
      %mul3A_513 = arith.muli %scan3A_24, %mul3A_512 : i32
      %get3A_514 = arith.constant 30 : i32
      %get3A_515 = arith.index_cast %get3A_514 : i32 to index
      %get3A_516 = arith.index_cast %mul3A_513 : i32 to index
      %get3A_517 = tpu.vector_load %arg9[%get3A_515, %get3A_516] {strides = array<i32>} : memref<64x512xf32, #tpu.memory_space<vmem>>, vector<1x16xf32>,
      %get3A_518 = vector.shape_cast %get3A_517 : vector<1x16xf32> to vector<16xf32>
      %mul3A_519 = arith.mulf %get3A_511, %get3A_518 : vector<16xf32>
      %add3A_520 = arith.addf %add3A_504, %mul3A_519 : vector<16xf32>
      %mul3A_521 = arith.constant 16 : i32
      %mul3A_522 = arith.muli %scan3A_24, %mul3A_521 : i32
      %add3A_523 = arith.constant 15872 : i32
      %add3A_524 = arith.addi %add3A_523, %mul3A_522 : i32
      %get3A_525 = arith.index_cast %add3A_524 : i32 to index
      %get3A_526 = tpu.vector_load %arg8[%get3A_525] {strides = array<i32>} : memref<32768xf32, #tpu.memory_space<vmem>>, vector<16xf32>,
      %get3A_527 = vector.shape_cast %get3A_526 : vector<16xf32> to vector<16xf32>
      %mul3A_528 = arith.constant 16 : i32
      %mul3A_529 = arith.muli %scan3A_24, %mul3A_528 : i32
      %get3A_530 = arith.constant 31 : i32
      %get3A_531 = arith.index_cast %get3A_530 : i32 to index
      %get3A_532 = arith.index_cast %mul3A_529 : i32 to index
      %get3A_533 = tpu.vector_load %arg9[%get3A_531, %get3A_532] {strides = array<i32>} : memref<64x512xf32, #tpu.memory_space<vmem>>, vector<1x16xf32>,
      %get3A_534 = vector.shape_cast %get3A_533 : vector<1x16xf32> to vector<16xf32>
      %mul3A_535 = arith.mulf %get3A_527, %get3A_534 : vector<16xf32>
      %add3A_536 = arith.addf %add3A_520, %mul3A_535 : vector<16xf32>
      %mul3A_537 = arith.constant 16 : i32
      %mul3A_538 = arith.muli %scan3A_24, %mul3A_537 : i32
      %add3A_539 = arith.constant 16384 : i32
      %add3A_540 = arith.addi %add3A_539, %mul3A_538 : i32
      %get3A_541 = arith.index_cast %add3A_540 : i32 to index
      %get3A_542 = tpu.vector_load %arg8[%get3A_541] {strides = array<i32>} : memref<32768xf32, #tpu.memory_space<vmem>>, vector<16xf32>,
      %get3A_543 = vector.shape_cast %get3A_542 : vector<16xf32> to vector<16xf32>
      %mul3A_544 = arith.constant 16 : i32
      %mul3A_545 = arith.muli %scan3A_24, %mul3A_544 : i32
      %get3A_546 = arith.constant 32 : i32
      %get3A_547 = arith.index_cast %get3A_546 : i32 to index
      %get3A_548 = arith.index_cast %mul3A_545 : i32 to index
      %get3A_549 = tpu.vector_load %arg9[%get3A_547, %get3A_548] {strides = array<i32>} : memref<64x512xf32, #tpu.memory_space<vmem>>, vector<1x16xf32>,
      %get3A_550 = vector.shape_cast %get3A_549 : vector<1x16xf32> to vector<16xf32>
      %mul3A_551 = arith.mulf %get3A_543, %get3A_550 : vector<16xf32>
      %add3A_552 = arith.addf %add3A_536, %mul3A_551 : vector<16xf32>
      %mul3A_553 = arith.constant 16 : i32
      %mul3A_554 = arith.muli %scan3A_24, %mul3A_553 : i32
      %add3A_555 = arith.constant 16896 : i32
      %add3A_556 = arith.addi %add3A_555, %mul3A_554 : i32
      %get3A_557 = arith.index_cast %add3A_556 : i32 to index
      %get3A_558 = tpu.vector_load %arg8[%get3A_557] {strides = array<i32>} : memref<32768xf32, #tpu.memory_space<vmem>>, vector<16xf32>,
      %get3A_559 = vector.shape_cast %get3A_558 : vector<16xf32> to vector<16xf32>
      %mul3A_560 = arith.constant 16 : i32
      %mul3A_561 = arith.muli %scan3A_24, %mul3A_560 : i32
      %get3A_562 = arith.constant 33 : i32
      %get3A_563 = arith.index_cast %get3A_562 : i32 to index
      %get3A_564 = arith.index_cast %mul3A_561 : i32 to index
      %get3A_565 = tpu.vector_load %arg9[%get3A_563, %get3A_564] {strides = array<i32>} : memref<64x512xf32, #tpu.memory_space<vmem>>, vector<1x16xf32>,
      %get3A_566 = vector.shape_cast %get3A_565 : vector<1x16xf32> to vector<16xf32>
      %mul3A_567 = arith.mulf %get3A_559, %get3A_566 : vector<16xf32>
      %add3A_568 = arith.addf %add3A_552, %mul3A_567 : vector<16xf32>
      %mul3A_569 = arith.constant 16 : i32
      %mul3A_570 = arith.muli %scan3A_24, %mul3A_569 : i32
      %add3A_571 = arith.constant 17408 : i32
      %add3A_572 = arith.addi %add3A_571, %mul3A_570 : i32
      %get3A_573 = arith.index_cast %add3A_572 : i32 to index
      %get3A_574 = tpu.vector_load %arg8[%get3A_573] {strides = array<i32>} : memref<32768xf32, #tpu.memory_space<vmem>>, vector<16xf32>,
      %get3A_575 = vector.shape_cast %get3A_574 : vector<16xf32> to vector<16xf32>
      %mul3A_576 = arith.constant 16 : i32
      %mul3A_577 = arith.muli %scan3A_24, %mul3A_576 : i32
      %get3A_578 = arith.constant 34 : i32
      %get3A_579 = arith.index_cast %get3A_578 : i32 to index
      %get3A_580 = arith.index_cast %mul3A_577 : i32 to index
      %get3A_581 = tpu.vector_load %arg9[%get3A_579, %get3A_580] {strides = array<i32>} : memref<64x512xf32, #tpu.memory_space<vmem>>, vector<1x16xf32>,
      %get3A_582 = vector.shape_cast %get3A_581 : vector<1x16xf32> to vector<16xf32>
      %mul3A_583 = arith.mulf %get3A_575, %get3A_582 : vector<16xf32>
      %add3A_584 = arith.addf %add3A_568, %mul3A_583 : vector<16xf32>
      %mul3A_585 = arith.constant 16 : i32
      %mul3A_586 = arith.muli %scan3A_24, %mul3A_585 : i32
      %add3A_587 = arith.constant 17920 : i32
      %add3A_588 = arith.addi %add3A_587, %mul3A_586 : i32
      %get3A_589 = arith.index_cast %add3A_588 : i32 to index
      %get3A_590 = tpu.vector_load %arg8[%get3A_589] {strides = array<i32>} : memref<32768xf32, #tpu.memory_space<vmem>>, vector<16xf32>,
      %get3A_591 = vector.shape_cast %get3A_590 : vector<16xf32> to vector<16xf32>
      %mul3A_592 = arith.constant 16 : i32
      %mul3A_593 = arith.muli %scan3A_24, %mul3A_592 : i32
      %get3A_594 = arith.constant 35 : i32
      %get3A_595 = arith.index_cast %get3A_594 : i32 to index
      %get3A_596 = arith.index_cast %mul3A_593 : i32 to index
      %get3A_597 = tpu.vector_load %arg9[%get3A_595, %get3A_596] {strides = array<i32>} : memref<64x512xf32, #tpu.memory_space<vmem>>, vector<1x16xf32>,
      %get3A_598 = vector.shape_cast %get3A_597 : vector<1x16xf32> to vector<16xf32>
      %mul3A_599 = arith.mulf %get3A_591, %get3A_598 : vector<16xf32>
      %add3A_600 = arith.addf %add3A_584, %mul3A_599 : vector<16xf32>
      %mul3A_601 = arith.constant 16 : i32
      %mul3A_602 = arith.muli %scan3A_24, %mul3A_601 : i32
      %add3A_603 = arith.constant 18432 : i32
      %add3A_604 = arith.addi %add3A_603, %mul3A_602 : i32
      %get3A_605 = arith.index_cast %add3A_604 : i32 to index
      %get3A_606 = tpu.vector_load %arg8[%get3A_605] {strides = array<i32>} : memref<32768xf32, #tpu.memory_space<vmem>>, vector<16xf32>,
      %get3A_607 = vector.shape_cast %get3A_606 : vector<16xf32> to vector<16xf32>
      %mul3A_608 = arith.constant 16 : i32
      %mul3A_609 = arith.muli %scan3A_24, %mul3A_608 : i32
      %get3A_610 = arith.constant 36 : i32
      %get3A_611 = arith.index_cast %get3A_610 : i32 to index
      %get3A_612 = arith.index_cast %mul3A_609 : i32 to index
      %get3A_613 = tpu.vector_load %arg9[%get3A_611, %get3A_612] {strides = array<i32>} : memref<64x512xf32, #tpu.memory_space<vmem>>, vector<1x16xf32>,
      %get3A_614 = vector.shape_cast %get3A_613 : vector<1x16xf32> to vector<16xf32>
      %mul3A_615 = arith.mulf %get3A_607, %get3A_614 : vector<16xf32>
      %add3A_616 = arith.addf %add3A_600, %mul3A_615 : vector<16xf32>
      %mul3A_617 = arith.constant 16 : i32
      %mul3A_618 = arith.muli %scan3A_24, %mul3A_617 : i32
      %add3A_619 = arith.constant 18944 : i32
      %add3A_620 = arith.addi %add3A_619, %mul3A_618 : i32
      %get3A_621 = arith.index_cast %add3A_620 : i32 to index
      %get3A_622 = tpu.vector_load %arg8[%get3A_621] {strides = array<i32>} : memref<32768xf32, #tpu.memory_space<vmem>>, vector<16xf32>,
      %get3A_623 = vector.shape_cast %get3A_622 : vector<16xf32> to vector<16xf32>
      %mul3A_624 = arith.constant 16 : i32
      %mul3A_625 = arith.muli %scan3A_24, %mul3A_624 : i32
      %get3A_626 = arith.constant 37 : i32
      %get3A_627 = arith.index_cast %get3A_626 : i32 to index
      %get3A_628 = arith.index_cast %mul3A_625 : i32 to index
      %get3A_629 = tpu.vector_load %arg9[%get3A_627, %get3A_628] {strides = array<i32>} : memref<64x512xf32, #tpu.memory_space<vmem>>, vector<1x16xf32>,
      %get3A_630 = vector.shape_cast %get3A_629 : vector<1x16xf32> to vector<16xf32>
      %mul3A_631 = arith.mulf %get3A_623, %get3A_630 : vector<16xf32>
      %add3A_632 = arith.addf %add3A_616, %mul3A_631 : vector<16xf32>
      %mul3A_633 = arith.constant 16 : i32
      %mul3A_634 = arith.muli %scan3A_24, %mul3A_633 : i32
      %add3A_635 = arith.constant 19456 : i32
      %add3A_636 = arith.addi %add3A_635, %mul3A_634 : i32
      %get3A_637 = arith.index_cast %add3A_636 : i32 to index
      %get3A_638 = tpu.vector_load %arg8[%get3A_637] {strides = array<i32>} : memref<32768xf32, #tpu.memory_space<vmem>>, vector<16xf32>,
      %get3A_639 = vector.shape_cast %get3A_638 : vector<16xf32> to vector<16xf32>
      %mul3A_640 = arith.constant 16 : i32
      %mul3A_641 = arith.muli %scan3A_24, %mul3A_640 : i32
      %get3A_642 = arith.constant 38 : i32
      %get3A_643 = arith.index_cast %get3A_642 : i32 to index
      %get3A_644 = arith.index_cast %mul3A_641 : i32 to index
      %get3A_645 = tpu.vector_load %arg9[%get3A_643, %get3A_644] {strides = array<i32>} : memref<64x512xf32, #tpu.memory_space<vmem>>, vector<1x16xf32>,
      %get3A_646 = vector.shape_cast %get3A_645 : vector<1x16xf32> to vector<16xf32>
      %mul3A_647 = arith.mulf %get3A_639, %get3A_646 : vector<16xf32>
      %add3A_648 = arith.addf %add3A_632, %mul3A_647 : vector<16xf32>
      %mul3A_649 = arith.constant 16 : i32
      %mul3A_650 = arith.muli %scan3A_24, %mul3A_649 : i32
      %add3A_651 = arith.constant 19968 : i32
      %add3A_652 = arith.addi %add3A_651, %mul3A_650 : i32
      %get3A_653 = arith.index_cast %add3A_652 : i32 to index
      %get3A_654 = tpu.vector_load %arg8[%get3A_653] {strides = array<i32>} : memref<32768xf32, #tpu.memory_space<vmem>>, vector<16xf32>,
      %get3A_655 = vector.shape_cast %get3A_654 : vector<16xf32> to vector<16xf32>
      %mul3A_656 = arith.constant 16 : i32
      %mul3A_657 = arith.muli %scan3A_24, %mul3A_656 : i32
      %get3A_658 = arith.constant 39 : i32
      %get3A_659 = arith.index_cast %get3A_658 : i32 to index
      %get3A_660 = arith.index_cast %mul3A_657 : i32 to index
      %get3A_661 = tpu.vector_load %arg9[%get3A_659, %get3A_660] {strides = array<i32>} : memref<64x512xf32, #tpu.memory_space<vmem>>, vector<1x16xf32>,
      %get3A_662 = vector.shape_cast %get3A_661 : vector<1x16xf32> to vector<16xf32>
      %mul3A_663 = arith.mulf %get3A_655, %get3A_662 : vector<16xf32>
      %add3A_664 = arith.addf %add3A_648, %mul3A_663 : vector<16xf32>
      %mul3A_665 = arith.constant 16 : i32
      %mul3A_666 = arith.muli %scan3A_24, %mul3A_665 : i32
      %add3A_667 = arith.constant 20480 : i32
      %add3A_668 = arith.addi %add3A_667, %mul3A_666 : i32
      %get3A_669 = arith.index_cast %add3A_668 : i32 to index
      %get3A_670 = tpu.vector_load %arg8[%get3A_669] {strides = array<i32>} : memref<32768xf32, #tpu.memory_space<vmem>>, vector<16xf32>,
      %get3A_671 = vector.shape_cast %get3A_670 : vector<16xf32> to vector<16xf32>
      %mul3A_672 = arith.constant 16 : i32
      %mul3A_673 = arith.muli %scan3A_24, %mul3A_672 : i32
      %get3A_674 = arith.constant 40 : i32
      %get3A_675 = arith.index_cast %get3A_674 : i32 to index
      %get3A_676 = arith.index_cast %mul3A_673 : i32 to index
      %get3A_677 = tpu.vector_load %arg9[%get3A_675, %get3A_676] {strides = array<i32>} : memref<64x512xf32, #tpu.memory_space<vmem>>, vector<1x16xf32>,
      %get3A_678 = vector.shape_cast %get3A_677 : vector<1x16xf32> to vector<16xf32>
      %mul3A_679 = arith.mulf %get3A_671, %get3A_678 : vector<16xf32>
      %add3A_680 = arith.addf %add3A_664, %mul3A_679 : vector<16xf32>
      %mul3A_681 = arith.constant 16 : i32
      %mul3A_682 = arith.muli %scan3A_24, %mul3A_681 : i32
      %add3A_683 = arith.constant 20992 : i32
      %add3A_684 = arith.addi %add3A_683, %mul3A_682 : i32
      %get3A_685 = arith.index_cast %add3A_684 : i32 to index
      %get3A_686 = tpu.vector_load %arg8[%get3A_685] {strides = array<i32>} : memref<32768xf32, #tpu.memory_space<vmem>>, vector<16xf32>,
      %get3A_687 = vector.shape_cast %get3A_686 : vector<16xf32> to vector<16xf32>
      %mul3A_688 = arith.constant 16 : i32
      %mul3A_689 = arith.muli %scan3A_24, %mul3A_688 : i32
      %get3A_690 = arith.constant 41 : i32
      %get3A_691 = arith.index_cast %get3A_690 : i32 to index
      %get3A_692 = arith.index_cast %mul3A_689 : i32 to index
      %get3A_693 = tpu.vector_load %arg9[%get3A_691, %get3A_692] {strides = array<i32>} : memref<64x512xf32, #tpu.memory_space<vmem>>, vector<1x16xf32>,
      %get3A_694 = vector.shape_cast %get3A_693 : vector<1x16xf32> to vector<16xf32>
      %mul3A_695 = arith.mulf %get3A_687, %get3A_694 : vector<16xf32>
      %add3A_696 = arith.addf %add3A_680, %mul3A_695 : vector<16xf32>
      %mul3A_697 = arith.constant 16 : i32
      %mul3A_698 = arith.muli %scan3A_24, %mul3A_697 : i32
      %add3A_699 = arith.constant 21504 : i32
      %add3A_700 = arith.addi %add3A_699, %mul3A_698 : i32
      %get3A_701 = arith.index_cast %add3A_700 : i32 to index
      %get3A_702 = tpu.vector_load %arg8[%get3A_701] {strides = array<i32>} : memref<32768xf32, #tpu.memory_space<vmem>>, vector<16xf32>,
      %get3A_703 = vector.shape_cast %get3A_702 : vector<16xf32> to vector<16xf32>
      %mul3A_704 = arith.constant 16 : i32
      %mul3A_705 = arith.muli %scan3A_24, %mul3A_704 : i32
      %get3A_706 = arith.constant 42 : i32
      %get3A_707 = arith.index_cast %get3A_706 : i32 to index
      %get3A_708 = arith.index_cast %mul3A_705 : i32 to index
      %get3A_709 = tpu.vector_load %arg9[%get3A_707, %get3A_708] {strides = array<i32>} : memref<64x512xf32, #tpu.memory_space<vmem>>, vector<1x16xf32>,
      %get3A_710 = vector.shape_cast %get3A_709 : vector<1x16xf32> to vector<16xf32>
      %mul3A_711 = arith.mulf %get3A_703, %get3A_710 : vector<16xf32>
      %add3A_712 = arith.addf %add3A_696, %mul3A_711 : vector<16xf32>
      %mul3A_713 = arith.constant 16 : i32
      %mul3A_714 = arith.muli %scan3A_24, %mul3A_713 : i32
      %add3A_715 = arith.constant 22016 : i32
      %add3A_716 = arith.addi %add3A_715, %mul3A_714 : i32
      %get3A_717 = arith.index_cast %add3A_716 : i32 to index
      %get3A_718 = tpu.vector_load %arg8[%get3A_717] {strides = array<i32>} : memref<32768xf32, #tpu.memory_space<vmem>>, vector<16xf32>,
      %get3A_719 = vector.shape_cast %get3A_718 : vector<16xf32> to vector<16xf32>
      %mul3A_720 = arith.constant 16 : i32
      %mul3A_721 = arith.muli %scan3A_24, %mul3A_720 : i32
      %get3A_722 = arith.constant 43 : i32
      %get3A_723 = arith.index_cast %get3A_722 : i32 to index
      %get3A_724 = arith.index_cast %mul3A_721 : i32 to index
      %get3A_725 = tpu.vector_load %arg9[%get3A_723, %get3A_724] {strides = array<i32>} : memref<64x512xf32, #tpu.memory_space<vmem>>, vector<1x16xf32>,
      %get3A_726 = vector.shape_cast %get3A_725 : vector<1x16xf32> to vector<16xf32>
      %mul3A_727 = arith.mulf %get3A_719, %get3A_726 : vector<16xf32>
      %add3A_728 = arith.addf %add3A_712, %mul3A_727 : vector<16xf32>
      %mul3A_729 = arith.constant 16 : i32
      %mul3A_730 = arith.muli %scan3A_24, %mul3A_729 : i32
      %add3A_731 = arith.constant 22528 : i32
      %add3A_732 = arith.addi %add3A_731, %mul3A_730 : i32
      %get3A_733 = arith.index_cast %add3A_732 : i32 to index
      %get3A_734 = tpu.vector_load %arg8[%get3A_733] {strides = array<i32>} : memref<32768xf32, #tpu.memory_space<vmem>>, vector<16xf32>,
      %get3A_735 = vector.shape_cast %get3A_734 : vector<16xf32> to vector<16xf32>
      %mul3A_736 = arith.constant 16 : i32
      %mul3A_737 = arith.muli %scan3A_24, %mul3A_736 : i32
      %get3A_738 = arith.constant 44 : i32
      %get3A_739 = arith.index_cast %get3A_738 : i32 to index
      %get3A_740 = arith.index_cast %mul3A_737 : i32 to index
      %get3A_741 = tpu.vector_load %arg9[%get3A_739, %get3A_740] {strides = array<i32>} : memref<64x512xf32, #tpu.memory_space<vmem>>, vector<1x16xf32>,
      %get3A_742 = vector.shape_cast %get3A_741 : vector<1x16xf32> to vector<16xf32>
      %mul3A_743 = arith.mulf %get3A_735, %get3A_742 : vector<16xf32>
      %add3A_744 = arith.addf %add3A_728, %mul3A_743 : vector<16xf32>
      %mul3A_745 = arith.constant 16 : i32
      %mul3A_746 = arith.muli %scan3A_24, %mul3A_745 : i32
      %add3A_747 = arith.constant 23040 : i32
      %add3A_748 = arith.addi %add3A_747, %mul3A_746 : i32
      %get3A_749 = arith.index_cast %add3A_748 : i32 to index
      %get3A_750 = tpu.vector_load %arg8[%get3A_749] {strides = array<i32>} : memref<32768xf32, #tpu.memory_space<vmem>>, vector<16xf32>,
      %get3A_751 = vector.shape_cast %get3A_750 : vector<16xf32> to vector<16xf32>
      %mul3A_752 = arith.constant 16 : i32
      %mul3A_753 = arith.muli %scan3A_24, %mul3A_752 : i32
      %get3A_754 = arith.constant 45 : i32
      %get3A_755 = arith.index_cast %get3A_754 : i32 to index
      %get3A_756 = arith.index_cast %mul3A_753 : i32 to index
      %get3A_757 = tpu.vector_load %arg9[%get3A_755, %get3A_756] {strides = array<i32>} : memref<64x512xf32, #tpu.memory_space<vmem>>, vector<1x16xf32>,
      %get3A_758 = vector.shape_cast %get3A_757 : vector<1x16xf32> to vector<16xf32>
      %mul3A_759 = arith.mulf %get3A_751, %get3A_758 : vector<16xf32>
      %add3A_760 = arith.addf %add3A_744, %mul3A_759 : vector<16xf32>
      %mul3A_761 = arith.constant 16 : i32
      %mul3A_762 = arith.muli %scan3A_24, %mul3A_761 : i32
      %add3A_763 = arith.constant 23552 : i32
      %add3A_764 = arith.addi %add3A_763, %mul3A_762 : i32
      %get3A_765 = arith.index_cast %add3A_764 : i32 to index
      %get3A_766 = tpu.vector_load %arg8[%get3A_765] {strides = array<i32>} : memref<32768xf32, #tpu.memory_space<vmem>>, vector<16xf32>,
      %get3A_767 = vector.shape_cast %get3A_766 : vector<16xf32> to vector<16xf32>
      %mul3A_768 = arith.constant 16 : i32
      %mul3A_769 = arith.muli %scan3A_24, %mul3A_768 : i32
      %get3A_770 = arith.constant 46 : i32
      %get3A_771 = arith.index_cast %get3A_770 : i32 to index
      %get3A_772 = arith.index_cast %mul3A_769 : i32 to index
      %get3A_773 = tpu.vector_load %arg9[%get3A_771, %get3A_772] {strides = array<i32>} : memref<64x512xf32, #tpu.memory_space<vmem>>, vector<1x16xf32>,
      %get3A_774 = vector.shape_cast %get3A_773 : vector<1x16xf32> to vector<16xf32>
      %mul3A_775 = arith.mulf %get3A_767, %get3A_774 : vector<16xf32>
      %add3A_776 = arith.addf %add3A_760, %mul3A_775 : vector<16xf32>
      %mul3A_777 = arith.constant 16 : i32
      %mul3A_778 = arith.muli %scan3A_24, %mul3A_777 : i32
      %add3A_779 = arith.constant 24064 : i32
      %add3A_780 = arith.addi %add3A_779, %mul3A_778 : i32
      %get3A_781 = arith.index_cast %add3A_780 : i32 to index
      %get3A_782 = tpu.vector_load %arg8[%get3A_781] {strides = array<i32>} : memref<32768xf32, #tpu.memory_space<vmem>>, vector<16xf32>,
      %get3A_783 = vector.shape_cast %get3A_782 : vector<16xf32> to vector<16xf32>
      %mul3A_784 = arith.constant 16 : i32
      %mul3A_785 = arith.muli %scan3A_24, %mul3A_784 : i32
      %get3A_786 = arith.constant 47 : i32
      %get3A_787 = arith.index_cast %get3A_786 : i32 to index
      %get3A_788 = arith.index_cast %mul3A_785 : i32 to index
      %get3A_789 = tpu.vector_load %arg9[%get3A_787, %get3A_788] {strides = array<i32>} : memref<64x512xf32, #tpu.memory_space<vmem>>, vector<1x16xf32>,
      %get3A_790 = vector.shape_cast %get3A_789 : vector<1x16xf32> to vector<16xf32>
      %mul3A_791 = arith.mulf %get3A_783, %get3A_790 : vector<16xf32>
      %add3A_792 = arith.addf %add3A_776, %mul3A_791 : vector<16xf32>
      %mul3A_793 = arith.constant 16 : i32
      %mul3A_794 = arith.muli %scan3A_24, %mul3A_793 : i32
      %add3A_795 = arith.constant 24576 : i32
      %add3A_796 = arith.addi %add3A_795, %mul3A_794 : i32
      %get3A_797 = arith.index_cast %add3A_796 : i32 to index
      %get3A_798 = tpu.vector_load %arg8[%get3A_797] {strides = array<i32>} : memref<32768xf32, #tpu.memory_space<vmem>>, vector<16xf32>,
      %get3A_799 = vector.shape_cast %get3A_798 : vector<16xf32> to vector<16xf32>
      %mul3A_800 = arith.constant 16 : i32
      %mul3A_801 = arith.muli %scan3A_24, %mul3A_800 : i32
      %get3A_802 = arith.constant 48 : i32
      %get3A_803 = arith.index_cast %get3A_802 : i32 to index
      %get3A_804 = arith.index_cast %mul3A_801 : i32 to index
      %get3A_805 = tpu.vector_load %arg9[%get3A_803, %get3A_804] {strides = array<i32>} : memref<64x512xf32, #tpu.memory_space<vmem>>, vector<1x16xf32>,
      %get3A_806 = vector.shape_cast %get3A_805 : vector<1x16xf32> to vector<16xf32>
      %mul3A_807 = arith.mulf %get3A_799, %get3A_806 : vector<16xf32>
      %add3A_808 = arith.addf %add3A_792, %mul3A_807 : vector<16xf32>
      %mul3A_809 = arith.constant 16 : i32
      %mul3A_810 = arith.muli %scan3A_24, %mul3A_809 : i32
      %add3A_811 = arith.constant 25088 : i32
      %add3A_812 = arith.addi %add3A_811, %mul3A_810 : i32
      %get3A_813 = arith.index_cast %add3A_812 : i32 to index
      %get3A_814 = tpu.vector_load %arg8[%get3A_813] {strides = array<i32>} : memref<32768xf32, #tpu.memory_space<vmem>>, vector<16xf32>,
      %get3A_815 = vector.shape_cast %get3A_814 : vector<16xf32> to vector<16xf32>
      %mul3A_816 = arith.constant 16 : i32
      %mul3A_817 = arith.muli %scan3A_24, %mul3A_816 : i32
      %get3A_818 = arith.constant 49 : i32
      %get3A_819 = arith.index_cast %get3A_818 : i32 to index
      %get3A_820 = arith.index_cast %mul3A_817 : i32 to index
      %get3A_821 = tpu.vector_load %arg9[%get3A_819, %get3A_820] {strides = array<i32>} : memref<64x512xf32, #tpu.memory_space<vmem>>, vector<1x16xf32>,
      %get3A_822 = vector.shape_cast %get3A_821 : vector<1x16xf32> to vector<16xf32>
      %mul3A_823 = arith.mulf %get3A_815, %get3A_822 : vector<16xf32>
      %add3A_824 = arith.addf %add3A_808, %mul3A_823 : vector<16xf32>
      %mul3A_825 = arith.constant 16 : i32
      %mul3A_826 = arith.muli %scan3A_24, %mul3A_825 : i32
      %add3A_827 = arith.constant 25600 : i32
      %add3A_828 = arith.addi %add3A_827, %mul3A_826 : i32
      %get3A_829 = arith.index_cast %add3A_828 : i32 to index
      %get3A_830 = tpu.vector_load %arg8[%get3A_829] {strides = array<i32>} : memref<32768xf32, #tpu.memory_space<vmem>>, vector<16xf32>,
      %get3A_831 = vector.shape_cast %get3A_830 : vector<16xf32> to vector<16xf32>
      %mul3A_832 = arith.constant 16 : i32
      %mul3A_833 = arith.muli %scan3A_24, %mul3A_832 : i32
      %get3A_834 = arith.constant 50 : i32
      %get3A_835 = arith.index_cast %get3A_834 : i32 to index
      %get3A_836 = arith.index_cast %mul3A_833 : i32 to index
      %get3A_837 = tpu.vector_load %arg9[%get3A_835, %get3A_836] {strides = array<i32>} : memref<64x512xf32, #tpu.memory_space<vmem>>, vector<1x16xf32>,
      %get3A_838 = vector.shape_cast %get3A_837 : vector<1x16xf32> to vector<16xf32>
      %mul3A_839 = arith.mulf %get3A_831, %get3A_838 : vector<16xf32>
      %add3A_840 = arith.addf %add3A_824, %mul3A_839 : vector<16xf32>
      %mul3A_841 = arith.constant 16 : i32
      %mul3A_842 = arith.muli %scan3A_24, %mul3A_841 : i32
      %add3A_843 = arith.constant 26112 : i32
      %add3A_844 = arith.addi %add3A_843, %mul3A_842 : i32
      %get3A_845 = arith.index_cast %add3A_844 : i32 to index
      %get3A_846 = tpu.vector_load %arg8[%get3A_845] {strides = array<i32>} : memref<32768xf32, #tpu.memory_space<vmem>>, vector<16xf32>,
      %get3A_847 = vector.shape_cast %get3A_846 : vector<16xf32> to vector<16xf32>
      %mul3A_848 = arith.constant 16 : i32
      %mul3A_849 = arith.muli %scan3A_24, %mul3A_848 : i32
      %get3A_850 = arith.constant 51 : i32
      %get3A_851 = arith.index_cast %get3A_850 : i32 to index
      %get3A_852 = arith.index_cast %mul3A_849 : i32 to index
      %get3A_853 = tpu.vector_load %arg9[%get3A_851, %get3A_852] {strides = array<i32>} : memref<64x512xf32, #tpu.memory_space<vmem>>, vector<1x16xf32>,
      %get3A_854 = vector.shape_cast %get3A_853 : vector<1x16xf32> to vector<16xf32>
      %mul3A_855 = arith.mulf %get3A_847, %get3A_854 : vector<16xf32>
      %add3A_856 = arith.addf %add3A_840, %mul3A_855 : vector<16xf32>
      %mul3A_857 = arith.constant 16 : i32
      %mul3A_858 = arith.muli %scan3A_24, %mul3A_857 : i32
      %add3A_859 = arith.constant 26624 : i32
      %add3A_860 = arith.addi %add3A_859, %mul3A_858 : i32
      %get3A_861 = arith.index_cast %add3A_860 : i32 to index
      %get3A_862 = tpu.vector_load %arg8[%get3A_861] {strides = array<i32>} : memref<32768xf32, #tpu.memory_space<vmem>>, vector<16xf32>,
      %get3A_863 = vector.shape_cast %get3A_862 : vector<16xf32> to vector<16xf32>
      %mul3A_864 = arith.constant 16 : i32
      %mul3A_865 = arith.muli %scan3A_24, %mul3A_864 : i32
      %get3A_866 = arith.constant 52 : i32
      %get3A_867 = arith.index_cast %get3A_866 : i32 to index
      %get3A_868 = arith.index_cast %mul3A_865 : i32 to index
      %get3A_869 = tpu.vector_load %arg9[%get3A_867, %get3A_868] {strides = array<i32>} : memref<64x512xf32, #tpu.memory_space<vmem>>, vector<1x16xf32>,
      %get3A_870 = vector.shape_cast %get3A_869 : vector<1x16xf32> to vector<16xf32>
      %mul3A_871 = arith.mulf %get3A_863, %get3A_870 : vector<16xf32>
      %add3A_872 = arith.addf %add3A_856, %mul3A_871 : vector<16xf32>
      %mul3A_873 = arith.constant 16 : i32
      %mul3A_874 = arith.muli %scan3A_24, %mul3A_873 : i32
      %add3A_875 = arith.constant 27136 : i32
      %add3A_876 = arith.addi %add3A_875, %mul3A_874 : i32
      %get3A_877 = arith.index_cast %add3A_876 : i32 to index
      %get3A_878 = tpu.vector_load %arg8[%get3A_877] {strides = array<i32>} : memref<32768xf32, #tpu.memory_space<vmem>>, vector<16xf32>,
      %get3A_879 = vector.shape_cast %get3A_878 : vector<16xf32> to vector<16xf32>
      %mul3A_880 = arith.constant 16 : i32
      %mul3A_881 = arith.muli %scan3A_24, %mul3A_880 : i32
      %get3A_882 = arith.constant 53 : i32
      %get3A_883 = arith.index_cast %get3A_882 : i32 to index
      %get3A_884 = arith.index_cast %mul3A_881 : i32 to index
      %get3A_885 = tpu.vector_load %arg9[%get3A_883, %get3A_884] {strides = array<i32>} : memref<64x512xf32, #tpu.memory_space<vmem>>, vector<1x16xf32>,
      %get3A_886 = vector.shape_cast %get3A_885 : vector<1x16xf32> to vector<16xf32>
      %mul3A_887 = arith.mulf %get3A_879, %get3A_886 : vector<16xf32>
      %add3A_888 = arith.addf %add3A_872, %mul3A_887 : vector<16xf32>
      %mul3A_889 = arith.constant 16 : i32
      %mul3A_890 = arith.muli %scan3A_24, %mul3A_889 : i32
      %add3A_891 = arith.constant 27648 : i32
      %add3A_892 = arith.addi %add3A_891, %mul3A_890 : i32
      %get3A_893 = arith.index_cast %add3A_892 : i32 to index
      %get3A_894 = tpu.vector_load %arg8[%get3A_893] {strides = array<i32>} : memref<32768xf32, #tpu.memory_space<vmem>>, vector<16xf32>,
      %get3A_895 = vector.shape_cast %get3A_894 : vector<16xf32> to vector<16xf32>
      %mul3A_896 = arith.constant 16 : i32
      %mul3A_897 = arith.muli %scan3A_24, %mul3A_896 : i32
      %get3A_898 = arith.constant 54 : i32
      %get3A_899 = arith.index_cast %get3A_898 : i32 to index
      %get3A_900 = arith.index_cast %mul3A_897 : i32 to index
      %get3A_901 = tpu.vector_load %arg9[%get3A_899, %get3A_900] {strides = array<i32>} : memref<64x512xf32, #tpu.memory_space<vmem>>, vector<1x16xf32>,
      %get3A_902 = vector.shape_cast %get3A_901 : vector<1x16xf32> to vector<16xf32>
      %mul3A_903 = arith.mulf %get3A_895, %get3A_902 : vector<16xf32>
      %add3A_904 = arith.addf %add3A_888, %mul3A_903 : vector<16xf32>
      %mul3A_905 = arith.constant 16 : i32
      %mul3A_906 = arith.muli %scan3A_24, %mul3A_905 : i32
      %add3A_907 = arith.constant 28160 : i32
      %add3A_908 = arith.addi %add3A_907, %mul3A_906 : i32
      %get3A_909 = arith.index_cast %add3A_908 : i32 to index
      %get3A_910 = tpu.vector_load %arg8[%get3A_909] {strides = array<i32>} : memref<32768xf32, #tpu.memory_space<vmem>>, vector<16xf32>,
      %get3A_911 = vector.shape_cast %get3A_910 : vector<16xf32> to vector<16xf32>
      %mul3A_912 = arith.constant 16 : i32
      %mul3A_913 = arith.muli %scan3A_24, %mul3A_912 : i32
      %get3A_914 = arith.constant 55 : i32
      %get3A_915 = arith.index_cast %get3A_914 : i32 to index
      %get3A_916 = arith.index_cast %mul3A_913 : i32 to index
      %get3A_917 = tpu.vector_load %arg9[%get3A_915, %get3A_916] {strides = array<i32>} : memref<64x512xf32, #tpu.memory_space<vmem>>, vector<1x16xf32>,
      %get3A_918 = vector.shape_cast %get3A_917 : vector<1x16xf32> to vector<16xf32>
      %mul3A_919 = arith.mulf %get3A_911, %get3A_918 : vector<16xf32>
      %add3A_920 = arith.addf %add3A_904, %mul3A_919 : vector<16xf32>
      %mul3A_921 = arith.constant 16 : i32
      %mul3A_922 = arith.muli %scan3A_24, %mul3A_921 : i32
      %add3A_923 = arith.constant 28672 : i32
      %add3A_924 = arith.addi %add3A_923, %mul3A_922 : i32
      %get3A_925 = arith.index_cast %add3A_924 : i32 to index
      %get3A_926 = tpu.vector_load %arg8[%get3A_925] {strides = array<i32>} : memref<32768xf32, #tpu.memory_space<vmem>>, vector<16xf32>,
      %get3A_927 = vector.shape_cast %get3A_926 : vector<16xf32> to vector<16xf32>
      %mul3A_928 = arith.constant 16 : i32
      %mul3A_929 = arith.muli %scan3A_24, %mul3A_928 : i32
      %get3A_930 = arith.constant 56 : i32
      %get3A_931 = arith.index_cast %get3A_930 : i32 to index
      %get3A_932 = arith.index_cast %mul3A_929 : i32 to index
      %get3A_933 = tpu.vector_load %arg9[%get3A_931, %get3A_932] {strides = array<i32>} : memref<64x512xf32, #tpu.memory_space<vmem>>, vector<1x16xf32>,
      %get3A_934 = vector.shape_cast %get3A_933 : vector<1x16xf32> to vector<16xf32>
      %mul3A_935 = arith.mulf %get3A_927, %get3A_934 : vector<16xf32>
      %add3A_936 = arith.addf %add3A_920, %mul3A_935 : vector<16xf32>
      %mul3A_937 = arith.constant 16 : i32
      %mul3A_938 = arith.muli %scan3A_24, %mul3A_937 : i32
      %add3A_939 = arith.constant 29184 : i32
      %add3A_940 = arith.addi %add3A_939, %mul3A_938 : i32
      %get3A_941 = arith.index_cast %add3A_940 : i32 to index
      %get3A_942 = tpu.vector_load %arg8[%get3A_941] {strides = array<i32>} : memref<32768xf32, #tpu.memory_space<vmem>>, vector<16xf32>,
      %get3A_943 = vector.shape_cast %get3A_942 : vector<16xf32> to vector<16xf32>
      %mul3A_944 = arith.constant 16 : i32
      %mul3A_945 = arith.muli %scan3A_24, %mul3A_944 : i32
      %get3A_946 = arith.constant 57 : i32
      %get3A_947 = arith.index_cast %get3A_946 : i32 to index
      %get3A_948 = arith.index_cast %mul3A_945 : i32 to index
      %get3A_949 = tpu.vector_load %arg9[%get3A_947, %get3A_948] {strides = array<i32>} : memref<64x512xf32, #tpu.memory_space<vmem>>, vector<1x16xf32>,
      %get3A_950 = vector.shape_cast %get3A_949 : vector<1x16xf32> to vector<16xf32>
      %mul3A_951 = arith.mulf %get3A_943, %get3A_950 : vector<16xf32>
      %add3A_952 = arith.addf %add3A_936, %mul3A_951 : vector<16xf32>
      %mul3A_953 = arith.constant 16 : i32
      %mul3A_954 = arith.muli %scan3A_24, %mul3A_953 : i32
      %add3A_955 = arith.constant 29696 : i32
      %add3A_956 = arith.addi %add3A_955, %mul3A_954 : i32
      %get3A_957 = arith.index_cast %add3A_956 : i32 to index
      %get3A_958 = tpu.vector_load %arg8[%get3A_957] {strides = array<i32>} : memref<32768xf32, #tpu.memory_space<vmem>>, vector<16xf32>,
      %get3A_959 = vector.shape_cast %get3A_958 : vector<16xf32> to vector<16xf32>
      %mul3A_960 = arith.constant 16 : i32
      %mul3A_961 = arith.muli %scan3A_24, %mul3A_960 : i32
      %get3A_962 = arith.constant 58 : i32
      %get3A_963 = arith.index_cast %get3A_962 : i32 to index
      %get3A_964 = arith.index_cast %mul3A_961 : i32 to index
      %get3A_965 = tpu.vector_load %arg9[%get3A_963, %get3A_964] {strides = array<i32>} : memref<64x512xf32, #tpu.memory_space<vmem>>, vector<1x16xf32>,
      %get3A_966 = vector.shape_cast %get3A_965 : vector<1x16xf32> to vector<16xf32>
      %mul3A_967 = arith.mulf %get3A_959, %get3A_966 : vector<16xf32>
      %add3A_968 = arith.addf %add3A_952, %mul3A_967 : vector<16xf32>
      %mul3A_969 = arith.constant 16 : i32
      %mul3A_970 = arith.muli %scan3A_24, %mul3A_969 : i32
      %add3A_971 = arith.constant 30208 : i32
      %add3A_972 = arith.addi %add3A_971, %mul3A_970 : i32
      %get3A_973 = arith.index_cast %add3A_972 : i32 to index
      %get3A_974 = tpu.vector_load %arg8[%get3A_973] {strides = array<i32>} : memref<32768xf32, #tpu.memory_space<vmem>>, vector<16xf32>,
      %get3A_975 = vector.shape_cast %get3A_974 : vector<16xf32> to vector<16xf32>
      %mul3A_976 = arith.constant 16 : i32
      %mul3A_977 = arith.muli %scan3A_24, %mul3A_976 : i32
      %get3A_978 = arith.constant 59 : i32
      %get3A_979 = arith.index_cast %get3A_978 : i32 to index
      %get3A_980 = arith.index_cast %mul3A_977 : i32 to index
      %get3A_981 = tpu.vector_load %arg9[%get3A_979, %get3A_980] {strides = array<i32>} : memref<64x512xf32, #tpu.memory_space<vmem>>, vector<1x16xf32>,
      %get3A_982 = vector.shape_cast %get3A_981 : vector<1x16xf32> to vector<16xf32>
      %mul3A_983 = arith.mulf %get3A_975, %get3A_982 : vector<16xf32>
      %add3A_984 = arith.addf %add3A_968, %mul3A_983 : vector<16xf32>
      %mul3A_985 = arith.constant 16 : i32
      %mul3A_986 = arith.muli %scan3A_24, %mul3A_985 : i32
      %add3A_987 = arith.constant 30720 : i32
      %add3A_988 = arith.addi %add3A_987, %mul3A_986 : i32
      %get3A_989 = arith.index_cast %add3A_988 : i32 to index
      %get3A_990 = tpu.vector_load %arg8[%get3A_989] {strides = array<i32>} : memref<32768xf32, #tpu.memory_space<vmem>>, vector<16xf32>,
      %get3A_991 = vector.shape_cast %get3A_990 : vector<16xf32> to vector<16xf32>
      %mul3A_992 = arith.constant 16 : i32
      %mul3A_993 = arith.muli %scan3A_24, %mul3A_992 : i32
      %get3A_994 = arith.constant 60 : i32
      %get3A_995 = arith.index_cast %get3A_994 : i32 to index
      %get3A_996 = arith.index_cast %mul3A_993 : i32 to index
      %get3A_997 = tpu.vector_load %arg9[%get3A_995, %get3A_996] {strides = array<i32>} : memref<64x512xf32, #tpu.memory_space<vmem>>, vector<1x16xf32>,
      %get3A_998 = vector.shape_cast %get3A_997 : vector<1x16xf32> to vector<16xf32>
      %mul3A_999 = arith.mulf %get3A_991, %get3A_998 : vector<16xf32>
      %add3A_1000 = arith.addf %add3A_984, %mul3A_999 : vector<16xf32>
      %mul3A_1001 = arith.constant 16 : i32
      %mul3A_1002 = arith.muli %scan3A_24, %mul3A_1001 : i32
      %add3A_1003 = arith.constant 31232 : i32
      %add3A_1004 = arith.addi %add3A_1003, %mul3A_1002 : i32
      %get3A_1005 = arith.index_cast %add3A_1004 : i32 to index
      %get3A_1006 = tpu.vector_load %arg8[%get3A_1005] {strides = array<i32>} : memref<32768xf32, #tpu.memory_space<vmem>>, vector<16xf32>,
      %get3A_1007 = vector.shape_cast %get3A_1006 : vector<16xf32> to vector<16xf32>
      %mul3A_1008 = arith.constant 16 : i32
      %mul3A_1009 = arith.muli %scan3A_24, %mul3A_1008 : i32
      %get3A_1010 = arith.constant 61 : i32
      %get3A_1011 = arith.index_cast %get3A_1010 : i32 to index
      %get3A_1012 = arith.index_cast %mul3A_1009 : i32 to index
      %get3A_1013 = tpu.vector_load %arg9[%get3A_1011, %get3A_1012] {strides = array<i32>} : memref<64x512xf32, #tpu.memory_space<vmem>>, vector<1x16xf32>,
      %get3A_1014 = vector.shape_cast %get3A_1013 : vector<1x16xf32> to vector<16xf32>
      %mul3A_1015 = arith.mulf %get3A_1007, %get3A_1014 : vector<16xf32>
      %add3A_1016 = arith.addf %add3A_1000, %mul3A_1015 : vector<16xf32>
      %mul3A_1017 = arith.constant 16 : i32
      %mul3A_1018 = arith.muli %scan3A_24, %mul3A_1017 : i32
      %add3A_1019 = arith.constant 31744 : i32
      %add3A_1020 = arith.addi %add3A_1019, %mul3A_1018 : i32
      %get3A_1021 = arith.index_cast %add3A_1020 : i32 to index
      %get3A_1022 = tpu.vector_load %arg8[%get3A_1021] {strides = array<i32>} : memref<32768xf32, #tpu.memory_space<vmem>>, vector<16xf32>,
      %get3A_1023 = vector.shape_cast %get3A_1022 : vector<16xf32> to vector<16xf32>
      %mul3A_1024 = arith.constant 16 : i32
      %mul3A_1025 = arith.muli %scan3A_24, %mul3A_1024 : i32
      %get3A_1026 = arith.constant 62 : i32
      %get3A_1027 = arith.index_cast %get3A_1026 : i32 to index
      %get3A_1028 = arith.index_cast %mul3A_1025 : i32 to index
      %get3A_1029 = tpu.vector_load %arg9[%get3A_1027, %get3A_1028] {strides = array<i32>} : memref<64x512xf32, #tpu.memory_space<vmem>>, vector<1x16xf32>,
      %get3A_1030 = vector.shape_cast %get3A_1029 : vector<1x16xf32> to vector<16xf32>
      %mul3A_1031 = arith.mulf %get3A_1023, %get3A_1030 : vector<16xf32>
      %add3A_1032 = arith.addf %add3A_1016, %mul3A_1031 : vector<16xf32>
      %mul3A_1033 = arith.constant 16 : i32
      %mul3A_1034 = arith.muli %scan3A_24, %mul3A_1033 : i32
      %add3A_1035 = arith.constant 32256 : i32
      %add3A_1036 = arith.addi %add3A_1035, %mul3A_1034 : i32
      %get3A_1037 = arith.index_cast %add3A_1036 : i32 to index
      %get3A_1038 = tpu.vector_load %arg8[%get3A_1037] {strides = array<i32>} : memref<32768xf32, #tpu.memory_space<vmem>>, vector<16xf32>,
      %get3A_1039 = vector.shape_cast %get3A_1038 : vector<16xf32> to vector<16xf32>
      %mul3A_1040 = arith.constant 16 : i32
      %mul3A_1041 = arith.muli %scan3A_24, %mul3A_1040 : i32
      %get3A_1042 = arith.constant 63 : i32
      %get3A_1043 = arith.index_cast %get3A_1042 : i32 to index
      %get3A_1044 = arith.index_cast %mul3A_1041 : i32 to index
      %get3A_1045 = tpu.vector_load %arg9[%get3A_1043, %get3A_1044] {strides = array<i32>} : memref<64x512xf32, #tpu.memory_space<vmem>>, vector<1x16xf32>,
      %get3A_1046 = vector.shape_cast %get3A_1045 : vector<1x16xf32> to vector<16xf32>
      %mul3A_1047 = arith.mulf %get3A_1039, %get3A_1046 : vector<16xf32>
      %add3A_1048 = arith.addf %add3A_1032, %mul3A_1047 : vector<16xf32>
      %mul3A_1049 = arith.constant 16 : i32
      %mul3A_1050 = arith.muli %scan3A_24, %mul3A_1049 : i32
      %swap3A = arith.index_cast %mul3A_1050 : i32 to index
      %swap3A_1051 = tpu.vector_load %arg10[%swap3A] {strides = array<i32>} : memref<512xf32, #tpu.memory_space<vmem>>, vector<16xf32>,
      %swap3A_1052 = vector.shape_cast %swap3A_1051 : vector<16xf32> to vector<16xf32>
      %swap3A_1053 = vector.shape_cast %add3A_1048 : vector<16xf32> to vector<16xf32>
      tpu.vector_store %arg10[%swap3A], %swap3A_1053 {strides = array<i32>} : memref<512xf32, #tpu.memory_space<vmem>>, vector<16xf32>,
    }
    %scan3A_23 = arith.constant 32 : i32
    "tpu.region"() ({
      %run_scoped3A = tpu.sem_alloc : memref<!tpu.dma_semaphore, #tpu.memory_space<semaphore_mem>>
      %dma_start3A_24 = tpu.memref_slice %arg5[%mul3A_2] : memref<16384xf32, #tpu.memory_space<hbm>> -> memref<512xf32, #tpu.memory_space<hbm>>
      %dma_start3A_25 = tpu.memref_slice %arg5[%mul3A_2] : memref<16384xf32, #tpu.memory_space<hbm>> -> memref<512xf32, #tpu.memory_space<hbm>>
      tpu.enqueue_dma source(%arg10 : memref<512xf32, #tpu.memory_space<vmem>>) target(%dma_start3A_25 : memref<512xf32, #tpu.memory_space<hbm>>) target_semaphore(%run_scoped3A : memref<!tpu.dma_semaphore, #tpu.memory_space<semaphore_mem>>)
      %dma_wait3A_26 = tpu.memref_slice %arg5[%mul3A_2] : memref<16384xf32, #tpu.memory_space<hbm>> -> memref<512xf32, #tpu.memory_space<hbm>>
      %dma_wait3A_27 = tpu.memref_slice %arg5[%mul3A_2] : memref<16384xf32, #tpu.memory_space<hbm>> -> memref<512xf32, #tpu.memory_space<hbm>>
      tpu.wait_dma2 semaphore(%run_scoped3A : memref<!tpu.dma_semaphore, #tpu.memory_space<semaphore_mem>>) src(%arg10 : memref<512xf32, #tpu.memory_space<vmem>>) dst(%dma_wait3A_27 : memref<512xf32, #tpu.memory_space<hbm>>)
      tpu.yield
    }) : () -> ()
    return
  }
}

module attributes {stable_mosaic.version = 14 : i64} {
  func.func @_p3_body(%arg0: memref<128x128xf32, #tpu.memory_space<vmem>>, %arg1: memref<128x128xf32, #tpu.memory_space<vmem>>) attributes {dimension_semantics = [], scalar_prefetch = 0 : i64, scratch_operands = 0 : i64, tpu.core_type = #tpu.core_type<tc>} {
    %get3A = arith.constant 0 : index
    %get3A_0 = arith.constant 0 : index
    %get3A_1 = vector.load %arg0[%get3A, %get3A_0] : memref<128x128xf32, #tpu.memory_space<vmem>>, vector<128x128xf32>
    %reduce_max3A = vector.shape_cast %get3A_1 : vector<128x128xf32> to vector<1x128x128xf32>
    %reduce_max3A_2 = arith.constant dense<0xFF800000> : vector<1xf32>
    %reduce_max3A_3 = vector.multi_reduction <maximumf>, %reduce_max3A, %reduce_max3A_2 [1, 2] : vector<1x128x128xf32> to vector<1xf32>
    %reduce_max3A_4 = vector.shape_cast %reduce_max3A_3 : vector<1xf32> to vector<1x1x1xf32>
    %reduce_max3A_5 = vector.extract %reduce_max3A_4[0, 0, 0] : f32 from vector<1x1x1xf32>
    %sub3A = vector.broadcast %reduce_max3A_5 : f32 to vector<128x128xf32>
    %sub3A_6 = arith.subf %get3A_1, %sub3A : vector<128x128xf32>
    %exp3A = math.exp %sub3A_6 : vector<128x128xf32>
    %reduce_sum3A = vector.shape_cast %exp3A : vector<128x128xf32> to vector<1x128x128xf32>
    %reduce_sum3A_7 = arith.constant dense<0.000000e+00> : vector<1xf32>
    %reduce_sum3A_8 = vector.multi_reduction <add>, %reduce_sum3A, %reduce_sum3A_7 [1, 2] : vector<1x128x128xf32> to vector<1xf32>
    %reduce_sum3A_9 = vector.shape_cast %reduce_sum3A_8 : vector<1xf32> to vector<1x1x1xf32>
    %reduce_sum3A_10 = vector.extract %reduce_sum3A_9[0, 0, 0] : f32 from vector<1x1x1xf32>
    %div3A = vector.broadcast %reduce_sum3A_10 : f32 to vector<128x128xf32>
    %div3A_11 = arith.divf %exp3A, %div3A : vector<128x128xf32>
    %swap3A = arith.constant 0 : index
    %swap3A_12 = arith.constant 0 : index
    %swap3A_13 = vector.load %arg1[%swap3A, %swap3A_12] : memref<128x128xf32, #tpu.memory_space<vmem>>, vector<128x128xf32>
    tpu.vector_store %arg1[%swap3A, %swap3A_12], %div3A_11 {strides = array<i32>} : memref<128x128xf32, #tpu.memory_space<vmem>>, vector<128x128xf32>,
    return
  }
}

module attributes {stable_mosaic.version = 14 : i64} {
  func.func @_k0_body(%arg0: memref<1x16384xi32, #tpu.memory_space<vmem>>, %arg1: memref<200x128xf32, #tpu.memory_space<vmem>>, %arg2: memref<64x128xf32, #tpu.memory_space<vmem>>, %arg3: memref<1x64xf32, #tpu.memory_space<vmem>>, %arg4: memref<64x16384xf32, #tpu.memory_space<vmem>>) attributes {dimension_semantics = [], scalar_prefetch = 0 : i64, scratch_operands = 0 : i64, tpu.core_type = #tpu.core_type<tc>} {
    %get3A = arith.constant 0 : index
    %get3A_0 = arith.constant 0 : index
    %get3A_1 = vector.load %arg1[%get3A, %get3A_0] : memref<200x128xf32, #tpu.memory_space<vmem>>, vector<200x128xf32>
    %get3A_2 = arith.constant 0 : index
    %get3A_3 = arith.constant 0 : index
    %get3A_4 = vector.load %arg2[%get3A_2, %get3A_3] : memref<64x128xf32, #tpu.memory_space<vmem>>, vector<64x128xf32>
    %dot_general3A = arith.constant dense<0.000000e+00> : vector<200x64xf32>
    %dot_general3A_5 = tpu.matmul %get3A_1, %get3A_4, %dot_general3A {dimension_numbers = #tpu.dot_dimension_numbers<[1], [1], [0], [0], [0, 0, 1, 0], [], []>, transpose_lhs_hint = false} : vector<200x128xf32>, vector<64x128xf32>, vector<200x64xf32> -> vector<200x64xf32>
    %get3A_6 = arith.constant 0 : index
    %get3A_7 = arith.constant 0 : index
    %get3A_8 = vector.load %arg3[%get3A_6, %get3A_7] : memref<1x64xf32, #tpu.memory_space<vmem>>, vector<1x64xf32>
    %add3A = vector.broadcast %get3A_8 : vector<1x64xf32> to vector<200x64xf32>
    %add3A_9 = arith.addf %dot_general3A_5, %add3A : vector<200x64xf32>
    %iota3A = tpu.iota {dimensions = array<i32: 0>} : vector<200x16384xi32>
    %get3A_10 = arith.constant 0 : index
    %get3A_11 = arith.constant 0 : index
    %get3A_12 = vector.load %arg0[%get3A_10, %get3A_11] : memref<1x16384xi32, #tpu.memory_space<vmem>>, vector<1x16384xi32>
    %eq3A = vector.broadcast %get3A_12 : vector<1x16384xi32> to vector<200x16384xi32>
    %eq3A_13 = arith.cmpi eq, %eq3A, %iota3A : vector<200x16384xi32>
    %convert_element_type3A = arith.extui %eq3A_13 : vector<200x16384xi1> to vector<200x16384xi32>
    %convert_element_type3A_14 = arith.sitofp %convert_element_type3A : vector<200x16384xi32> to vector<200x16384xf32>
    %dot_general3A_15 = arith.constant dense<0.000000e+00> : vector<64x16384xf32>
    %dot_general3A_16 = tpu.matmul %add3A_9, %convert_element_type3A_14, %dot_general3A_15 {dimension_numbers = #tpu.dot_dimension_numbers<[0], [0], [1], [1], [0, 1, 1, 1], [], []>, transpose_lhs_hint = false} : vector<200x64xf32>, vector<200x16384xf32>, vector<64x16384xf32> -> vector<64x16384xf32>
    %swap3A = arith.constant 0 : index
    %swap3A_17 = arith.constant 0 : index
    %swap3A_18 = vector.load %arg4[%swap3A, %swap3A_17] : memref<64x16384xf32, #tpu.memory_space<vmem>>, vector<64x16384xf32>
    tpu.vector_store %arg4[%swap3A, %swap3A_17], %dot_general3A_16 {strides = array<i32>} : memref<64x16384xf32, #tpu.memory_space<vmem>>, vector<64x16384xf32>,
    return
  }
}

</mosaic_0001>

<sc_bundles>
// kernel: kernel.5.cloned.1.call-start
scs
__scs_entry_jumppad:
0x0: {  	(pc) =	sbr.rel $0x88, $3  }
0x1: {  	(tag) =	ssettag $0x0;
	lr =	simm.s32 $0x1  }
0x2: {  	[smem:$0x3F9B] =	sst lr;
	_ =	strace $0xD0000000  }
0x3: {  	_ = 	snop  }
0x4: {  	_ = 	snop  }
0x5: {  	_ = 	snop  }
0x6: {  	_ = 	snop  }
0x7: {  	_ = 	snop  }
__scs_overlays_trampoline_lowered:
0x8: {  	[smem:$0x3FAA] =	sst s0  }
0x9: {  	[smem:$0x3FAB] =	sst s1  }
0xa: {  	[smem:$0x3FAC] =	sst s2  }
0xb: {  	[smem:$0x3FAD] =	sst s3  }
0xc: {  	[smem:$0x3FAE] =	sst s4  }
0xd: {  	[smem:$0x3FAF] =	sst s5  }
0xe: {  	[smem:$0x3FB0] =	sst s6  }
0xf: {  	[smem:$0x3FB1] =	sst s7  }
0x10: {  	[smem:$0x3FB2] =	sst s8  }
0x11: {  	[smem:$0x3FB3] =	sst s9;
	s0 =	simm.s32 @!p0 $0x0  }
0x12: {  	s1 =	sld [smem:$0x3F99];
	s0 =	simm.s32 @p0 $0x1  }
0x13: {  	[smem:$0x3FB4] =	sst s0;
	s0 =	simm.s32 @!p1 $0x0  }
0x14: {  	s2 =	sld [smem:$0x3F98];
	s0 =	simm.s32 @p1 $0x1  }
0x15: {  	[smem:$0x3FB5] =	sst s0;
	s0 =	simm.s32 @!p2 $0x0  }
0x16: {  	s3 =	sld [smem:$0x3FDB];
	s0 =	simm.s32 @p2 $0x1  }
0x17: {  	s4 =	simm.s32 $0x1BF5;
	[smem:$0x3FB7] =	sst s0  }
0x18: {  	s0 =	sld [smem:$0x3F9A];
	_ =	swait.ge [sflag:s4], $0x0  }
0x19: {  	s7 =	sld [smem:$0x3F9B]  }
0x1a: {  	s8 =	sadd.s32 $0xFFFFE003, lr  }
0x1b: {  	s9 =	sadd.s32 $0xFFFFFEF7, lr;
	s5 =	simm.s32 $0xFFFFFFFF;
	p2 =	slt.u32 s8, $0xFFFFF086  }
0x1c: {  	p1 =	slt.u32 s9, $0xF7A;
	s5 =	simm.s32 @!p2 $0x0  }
0x1d: {  	s5 =	simm.s32 @p1 $0x1;
	p0 =	seq.s32 s7, s2  }
0x1e: {  	s7 =	smul.u32 @!p0 $0xF7A, s2;
	p2 =	seq.s32 @!p0 s5, $0x0  }
0x1f: {  	s9 =	smul.u32 $0xF7A, s1;
	s8 =	simm.s32 @!p0 $0x1BF5;
	p2 =	por !p2, p0  }
0x20: {  	[sflag:s8] =	ssyncset.s32 @!p0 $0xFFFFF086;
	s6 =	sadd.s32 @!p0 s3, s7;
	s7 =	simm.s32 @!p0 $0x108  }
0x21: {  	s3 =	sadd.s32 s3, s9;
	s6 =	sadd.s32 @!p0 $0x88, s6;
	s7 =	simm.s32 @p2 $0x1082  }
0x22: {  	[simem:s7], [sflag:s8] =	dma.local @!p0 [hbm:s6], $0xF7A  }
0x23: {  	s9 =	sor.u32 $0xD0000000, s2;
	s6 =	simm.s32 $0x108;
	_ =	swait.ge @!p0 [sflag:s8], $0x0  }
0x24: {  	s3 =	sadd.s32 $0x88, s3;
	s6 =	simm.s32 @!p1 $0x1082;
	[sflag:s4] =	ssyncset.s32 $0xFFFFF086  }
0x25: {  	[simem:s6], [sflag:s4] =	dma.local [hbm:s3], $0xF7A  }
0x26: {  	[smem:$0x3F9B] =	sst s1;
	(tag) =	ssettag s2;
	_ =	strace s9  }
0x27: {  	s1 =	sld [smem:$0x3FAB]  }
0x28: {  	s2 =	sld [smem:$0x3FAC]  }
0x29: {  	s4 =	sld [smem:$0x3FAE]  }
0x2a: {  	p0 =	seq.s32 s5, $0x0;
	s5 =	sld [smem:$0x3FAF]  }
0x2b: {  	s6 =	sld [smem:$0x3FB0]  }
0x2c: {  	s7 =	sld [smem:$0x3FB1]  }
0x2d: {  	s3 =	simm.s32 $0x108;
	s8 =	sld [smem:$0x3FB2]  }
0x2e: {  	s3 =	simm.s32 @!p0 $0x1082;
	s9 =	sld [smem:$0x3FB3]  }
0x2f: {  	lr =	sadd.s32 s0, s3;
	s0 =	sld [smem:$0x3FAA]  }
0x30: {  	s3 =	sld [smem:$0x3FAD]  }
0x31: {  	[smem:$0x3FB6] =	sst s10  }
0x32: {  	s10 =	sld [smem:$0x3FB4];
	_ =	sdelay $0x3  }
0x33: {  	p0 =	seq.s32 s10, $0x1;
	s10 =	sld [smem:$0x3FB6];
	_ =	sdelay $0x3  }
0x34: {  	[smem:$0x3FB6] =	sst s10  }
0x35: {  	s10 =	sld [smem:$0x3FB5];
	_ =	sdelay $0x3  }
0x36: {  	p1 =	seq.s32 s10, $0x1;
	s10 =	sld [smem:$0x3FB6];
	_ =	sdelay $0x3  }
0x37: {  	[smem:$0x3FB6] =	sst s10  }
0x38: {  	s10 =	sld [smem:$0x3FB7]  }
0x39: {  	_ = 	snop;
	(pc) =	sbr.ind lr, $3  }
0x3a: {  	_ = 	snop  }
0x3b: {  	_ = 	snop  }
0x3c: {  	p2 =	seq.s32 s10, $0x1;
	s10 =	sld [smem:$0x3FB6]  }
0x3d: {  	_ =	shalt  }
0x3e: {  	_ =	shalt  }
0x3f: {  	_ =	shalt  }
0x40: {  	_ =	shalt  }
0x41: {  	_ =	shalt  }
0x42: {  	_ =	shalt  }
0x43: {  	_ =	shalt  }
0x44: {  	_ =	shalt  }
0x45: {  	_ =	shalt  }
0x46: {  	_ =	shalt  }
0x47: {  	_ =	shalt  }
0x48: {  	_ =	shalt  }
0x49: {  	_ =	shalt  }
0x4a: {  	_ =	shalt  }
0x4b: {  	_ =	shalt  }
0x4c: {  	_ =	shalt  }
0x4d: {  	_ =	shalt  }
0x4e: {  	_ =	shalt  }
0x4f: {  	_ =	shalt  }
0x50: {  	_ =	shalt  }
0x51: {  	_ =	shalt  }
0x52: {  	_ =	shalt  }
0x53: {  	_ =	shalt  }
0x54: {  	_ =	shalt  }
0x55: {  	_ =	shalt  }
0x56: {  	_ =	shalt  }
0x57: {  	_ =	shalt  }
0x58: {  	_ =	shalt  }
0x59: {  	_ =	shalt  }
0x5a: {  	_ =	shalt  }
0x5b: {  	_ =	shalt  }
0x5c: {  	_ =	shalt  }
0x5d: {  	_ =	shalt  }
0x5e: {  	_ =	shalt  }
0x5f: {  	_ =	shalt  }
0x60: {  	_ =	shalt  }
0x61: {  	_ =	shalt  }
0x62: {  	_ =	shalt  }
0x63: {  	_ =	shalt  }
0x64: {  	_ =	shalt  }
0x65: {  	_ =	shalt  }
0x66: {  	_ =	shalt  }
0x67: {  	_ =	shalt  }
0x68: {  	_ =	shalt  }
0x69: {  	_ =	shalt  }
0x6a: {  	_ =	shalt  }
0x6b: {  	_ =	shalt  }
0x6c: {  	_ =	shalt  }
0x6d: {  	_ =	shalt  }
0x6e: {  	_ =	shalt  }
0x6f: {  	_ =	shalt  }
0x70: {  	_ =	shalt  }
0x71: {  	_ =	shalt  }
0x72: {  	_ =	shalt  }
0x73: {  	_ =	shalt  }
0x74: {  	_ =	shalt  }
0x75: {  	_ =	shalt  }
0x76: {  	_ =	shalt  }
0x77: {  	_ =	shalt  }
0x78: {  	_ =	shalt  }
0x79: {  	_ =	shalt  }
0x7a: {  	_ =	shalt  }
0x7b: {  	_ =	shalt  }
0x7c: {  	_ =	shalt  }
0x7d: {  	_ =	shalt  }
0x7e: {  	_ =	shalt  }
0x7f: {  	_ =	shalt  }
0x80: {  	_ =	shalt  }
0x81: {  	_ =	shalt  }
0x82: {  	_ =	shalt  }
0x83: {  	_ =	shalt  }
0x84: {  	_ =	shalt  }
0x85: {  	_ =	shalt  }
0x86: {  	_ =	shalt  }
0x87: {  	_ =	shalt  }
.Lfunc_end0:
.L_simem_size_0:
called_computation_lowered:
.L_overlay_start_0:
0x88: {  	s2 =	sld [smem:$0x3FD9]  }
0x89: {  	s3 =	sld [smem:$0x3FFE];
	_ =	sdelay $0x1  }
0x8a: {  	s1 =	srdreg.scid  }
0x8b: {  	s0 =	sand.u32 $0x1, s1  }
0x8c: {  	s17 =	sshll.u32 s0, $0xA;
	s2 =	sadd.s32 s3, s2  }
0x8d: {  	s2 =	sadd.s32 s2, s17  }
0x8e: {  	[smem:$0x3FC2] =	sst s2  }
0x8f: {  	_ = 	snop  }
0x90: {  	s2 =	sld [smem:$0x3FC8]  }
0x91: {  	s18 =	sld [smem:$0x3FD0];
	(tm) =	ssettm $0x1  }
0x92: {  	s4 =	sld [smem:$0x3FFB];
	_ =	sdelay $0x3  }
0x93: {  	_ =	strace s4  }
0x94: {  	s4 =	sld [smem:$0x3FFC];
	_ =	sdelay $0x3  }
0x95: {  	_ =	strace s4  }
0x96: {  	s4 =	sld [smem:$0x3FFD];
	_ =	sdelay $0x3  }
0x97: {  	_ =	strace s4  }
0x98: {  	_ =	strace $0x8FFFFFFF  }
0x99: {  	s19 =	sld [smem:$0x3FDB];
	_ =	sdelay $0x1  }
0x9a: {  	s5 =	simm.s32 $_scs_section_size  }
0x9b: {  	s6 =	simm.s32 $_size__tile_overlayer_lowered;
	s7 =	simm.s32 $_tile_overlayer_lowered  }
0x9c: {  	s22 =	simm.s32 $0x1BFF;
	s21 =	sshll.u32 s7, $0x1;
	s4 =	sadd.s32 s5, s19  }
0x9d: {  	s8 =	simm.s32 $0x0;
	s20 =	sshll.u32 s6, $0x1;
	s6 =	sadd.s32 s21, s4  }
0x9e: {  	[timem:s8], [sflag:s22] =	dma.local [hbm:s6], s20  }
0x9f: {  	_ =	swait.ge [sflag:s22], s20  }
0xa0: {  	s5 =	ssub.s32 $0x0, s20;
	[sflag:s22] =	ssyncset.done $0x0  }
0xa1: {  	[sflag:s22] =	ssyncadd.s32 s5;
	_ =	sdelay $0x1  }
0xa2: {  	s23 =	simm.s32 $0x1B8B  }
0xa3: {  	_ =	swait.ge [sflag:s23], $0x1  }
0xa4: {  	[sflag:s23] =	ssyncset.done $0x0  }
0xa5: {  	s25 =	simm.s32 $0x1B8E;
	s24 =	sld [smem:$0x3FFE];
	[sflag:s23] =	ssyncadd.s32 $0xFFFFFFFF  }
0xa6: {  	s26 =	simm.s32 $execute0_lowered;
	[smem:$0x3FD2] =	sst s25  }
0xa7: {  	s6 =	sshll.u32 s26, $0x1;
	_ =	strace $0x80000046;
	[dreg:$0x1] =	wrdreg $0xFFFFFFFF  }
0xa8: {  	s28 =	simm.s32 $_size_execute0_lowered;
	s4 =	sadd.s32 s4, s6;
	[dreg:$0x0] =	wrdreg $0x0  }
0xa9: {  	s6 =	sshll.u32 s28, $0x1;
	[dreg:$0x2] =	wrdreg s4  }
0xaa: {  	[dreg:$0x3] =	wrdreg s6  }
0xab: {  	[dreg:$0x4] =	wrdreg $0xC0  }
0xac: {  	_ =	task [dreg:s8], $0x5FFFF  }
0xad: {  	[dreg:$0x1] =	wrdreg $0xFFFFFFFF  }
0xae: {  	[dreg:$0x0] =	wrdreg $0x60  }
0xaf: {  	[dreg:$0x2] =	wrdreg s2  }
0xb0: {  	[dreg:$0x3] =	wrdreg s24  }
0xb1: {  	[dreg:$0x4] =	wrdreg s18  }
0xb2: {  	[dreg:$0x5] =	wrdreg $0x9  }
0xb3: {  	_ =	task.clear_ibuf [dreg:s8], $0x6FFFF;
	_ =	strace $0x90000046  }
0xb4: {  	s29 =	simm.s32 $0x9;
	_ =	strace $0x80000048  }
0xb5: {  	_ =	swait.ge [sflag:s29], $0x1  }
0xb6: {  	[sflag:s29] =	ssyncadd.s32 $0xFFFFFFFF  }
0xb7: {  	_ =	strace $0x90000048  }
0xb8: {  	_ =	sfence  }
0xb9: {  	s30 =	sld [smem:$0x0];
	_ =	sdelay $0x2  }
0xba: {  	s31 =	sshll.u32 s1, $0xD;
	s1 =	sshrl.u32 s1, $0x2  }
0xbb: {  	s3 =	sand.u32 $0x4000, s31;
	s1 =	sadd.s32 s1, s30  }
0xbc: {  	s0 =	sor.u32 s3, s0;
	s1 =	sshll.u32 s1, $0x11  }
0xbd: {  	s0 =	sor.u32 s1, s0  }
0xbe: {  	s0 =	sadd.s32 $0x8F2B, s0  }
0xbf: {  	[sflag:s0] =	ssyncadd.remote.s32 $0x1  }
0xc0: {  	_ =	sfence.sel $0xFFFF  }
0xc1: {  	[dreg:$0x0] =	wrdreg $0xFFFFFFFF;
	(pc) =	sbr.abs _section_cstart, $3  }
0xc2: {  	[dreg:$0x1] =	wrdreg $0xFFFFFFFF  }
0xc3: {  	_ =	task.clear_ibuf [dreg:s8], $0x2FFFF;
	_ =	strace $0x9FFFFFFF  }
0xc4: {  	(tm) =	ssettm $0x7FFFFFFF  }
0xc5: {  	_ =	shalt  }
tec
execute0_lowered:
.L_overlay_start_1:
0x0: {  	(tag) =	ssettag $0x1  }
0x1: {  	s4 =	rddreg [dreg:$0x0]  }
0x2: {  	s3 =	rddreg [dreg:$0x1]  }
0x3: {  	s6 =	rddreg [dreg:$0x2]  }
0x4: {  	s0 =	rddreg [dreg:$0x3];
	s5 =	srdreg.scid  }
0x5: {  	s2 =	simm.s32 $0x0;
	s1 =	stileid.u32;
	s10 =	simm.s32 $0x4000  }
0x6: {  	s11 =	simm.s32 $0x10200;
	s12 =	simm.s32 $0x8000;
	s13 =	simm.s32 $0x8200  }
0x7: {  	s14 =	simm.s32 $0x1;
	s15 =	simm.s32 $0x2;
	s16 =	simm.s32 $0x18200  }
0x8: {  	s17 =	simm.s32 $0x0;
	s5 =	sand.u32 $0x1, s5;
	[smem:$0x7FF] =	sst s2  }
0x9: {  	s7 =	sshll.u32 s1, $0x7;
	s8 =	sshll.u32 s5, $0x6;
	s5 =	ssub.s32 $0x2, s5  }
0xa: {  	_ =	strace $0x80000047;
	s7 =	sor.u32 s8, s7;
	s9 =	sshrl.u32 s5, $0x1  }
0xb: {  	s8 =	sadd.s32 s7, s3;
	s3 =	sadd.s32 $0xC00, s3;
	s9 =	ssub.s32 s5, s9  }
0xc: {  	s4 =	sadd.s32 s4, s7;
	s6 =	sadd.s32 s6, s7;
	s5 =	sadd.s32 $0x7A1E00, s8  }
0xd: {  	s7 =	smax.u32 s9, $0x1;
	s8 =	simm.s32 $0x3;
	s9 =	simm.s32 $0x200  }
.LBB2_1:
0xe: {  	[tilespmem:s2], [sflag:$0x3] =	stream.linear.gather [hbm4b:s4+s2], $0x200, $0x38;
	[tilespmem:$0x18400] =	vst v63  }
0xf: {  	_ =	swait.ge [sflag:s8], $0x200  }
0x10: {  	[sflag:s8] =	ssyncset.done $0x0  }
0x11: {  	s18 =	simm.s32 $0x0;
	[sflag:s8] =	ssyncadd.s32 $0xFFFFFE00  }
0x12: {  	[tilespmem:s11], [sflag:$0x2] =	stream.strided.gather [hbm4b:s5+s9], $0x8000, s10, s9, $0x38;
	[tilespmem:$0x18400] =	vst v63  }
0x13: {  	v0 =	vld [tilespmem:s18+$0x0];
	_ =	sdelay $0x4  }
0x14: {  	[tilespmem:s18+$0x200] =	vst v0;
	v1 =	vadd.s32 $0xF4240, v0  }
0x15: {  	[tilespmem:s18+$0x400] =	vst v1;
	v1 =	vadd.s32 $0x1E8480, v0  }
0x16: {  	[tilespmem:s18+$0x600] =	vst v1;
	v1 =	vadd.s32 $0x2DC6C0, v0  }
0x17: {  	[tilespmem:s18+$0x800] =	vst v1;
	v1 =	vadd.s32 $0x3D0900, v0  }
0x18: {  	[tilespmem:s18+$0xA00] =	vst v1;
	v1 =	vadd.s32 $0x4C4B40, v0  }
0x19: {  	[tilespmem:s18+$0xC00] =	vst v1;
	v1 =	vadd.s32 $0x5B8D80, v0  }
0x1a: {  	[tilespmem:s18+$0xE00] =	vst v1;
	v1 =	vadd.s32 $0x6ACFC0, v0  }
0x1b: {  	[tilespmem:s18+$0x1000] =	vst v1;
	v1 =	vadd.s32 $0x7A1200, v0  }
0x1c: {  	[tilespmem:s18+$0x1200] =	vst v1;
	v1 =	vadd.s32 $0x895440, v0  }
0x1d: {  	[tilespmem:s18+$0x1400] =	vst v1;
	v1 =	vadd.s32 $0x989680, v0  }
0x1e: {  	[tilespmem:s18+$0x1600] =	vst v1;
	v1 =	vadd.s32 $0xA7D8C0, v0  }
0x1f: {  	[tilespmem:s18+$0x1800] =	vst v1;
	v1 =	vadd.s32 $0xB71B00, v0  }
0x20: {  	[tilespmem:s18+$0x1A00] =	vst v1;
	v1 =	vadd.s32 $0xC65D40, v0  }
0x21: {  	[tilespmem:s18+$0x1C00] =	vst v1;
	v1 =	vadd.s32 $0xD59F80, v0  }
0x22: {  	[tilespmem:s18+$0x1E00] =	vst v1;
	v1 =	vadd.s32 $0xE4E1C0, v0  }
0x23: {  	[tilespmem:s18+$0x2000] =	vst v1;
	v1 =	vadd.s32 $0xF42400, v0  }
0x24: {  	[tilespmem:s18+$0x2200] =	vst v1;
	v1 =	vadd.s32 $0x1036640, v0  }
0x25: {  	[tilespmem:s18+$0x2400] =	vst v1;
	v1 =	vadd.s32 $0x112A880, v0  }
0x26: {  	[tilespmem:s18+$0x2600] =	vst v1;
	v1 =	vadd.s32 $0x121EAC0, v0  }
0x27: {  	[tilespmem:s18+$0x2800] =	vst v1;
	v1 =	vadd.s32 $0x1312D00, v0  }
0x28: {  	[tilespmem:s18+$0x2A00] =	vst v1;
	v1 =	vadd.s32 $0x1406F40, v0  }
0x29: {  	[tilespmem:s18+$0x2C00] =	vst v1;
	v1 =	vadd.s32 $0x14FB180, v0  }
0x2a: {  	[tilespmem:s18+$0x2E00] =	vst v1;
	v1 =	vadd.s32 $0x15EF3C0, v0  }
0x2b: {  	[tilespmem:s18+$0x3000] =	vst v1;
	v1 =	vadd.s32 $0x16E3600, v0  }
0x2c: {  	[tilespmem:s18+$0x3200] =	vst v1;
	v1 =	vadd.s32 $0x17D7840, v0  }
0x2d: {  	[tilespmem:s18+$0x3400] =	vst v1;
	v1 =	vadd.s32 $0x18CBA80, v0  }
0x2e: {  	[tilespmem:s18+$0x3600] =	vst v1;
	v1 =	vadd.s32 $0x19BFCC0, v0  }
0x2f: {  	[tilespmem:s18+$0x3800] =	vst v1;
	v1 =	vadd.s32 $0x1AB3F00, v0  }
0x30: {  	[tilespmem:s18+$0x3A00] =	vst v1;
	v1 =	vadd.s32 $0x1BA8140, v0  }
0x31: {  	[tilespmem:s18+$0x3C00] =	vst v1;
	v1 =	vadd.s32 $0x1C9C380, v0  }
0x32: {  	[tilespmem:s18+$0x3E00] =	vst v1;
	v1 =	vadd.s32 $0x1D905C0, v0  }
0x33: {  	[tilespmem:s18+$0x4000] =	vst v1;
	v1 =	vadd.s32 $0x1E84800, v0  }
0x34: {  	[tilespmem:s18+$0x4200] =	vst v1;
	v1 =	vadd.s32 $0x1F78A40, v0  }
0x35: {  	[tilespmem:s18+$0x4400] =	vst v1;
	v1 =	vadd.s32 $0x206CC80, v0  }
0x36: {  	[tilespmem:s18+$0x4600] =	vst v1;
	v1 =	vadd.s32 $0x2160EC0, v0  }
0x37: {  	[tilespmem:s18+$0x4800] =	vst v1;
	v1 =	vadd.s32 $0x2255100, v0  }
0x38: {  	[tilespmem:s18+$0x4A00] =	vst v1;
	v1 =	vadd.s32 $0x2349340, v0  }
0x39: {  	[tilespmem:s18+$0x4C00] =	vst v1;
	v1 =	vadd.s32 $0x243D580, v0  }
0x3a: {  	[tilespmem:s18+$0x4E00] =	vst v1;
	v1 =	vadd.s32 $0x25317C0, v0  }
0x3b: {  	[tilespmem:s18+$0x5000] =	vst v1;
	v1 =	vadd.s32 $0x2625A00, v0  }
0x3c: {  	[tilespmem:s18+$0x5200] =	vst v1;
	v1 =	vadd.s32 $0x2719C40, v0  }
0x3d: {  	[tilespmem:s18+$0x5400] =	vst v1;
	v1 =	vadd.s32 $0x280DE80, v0  }
0x3e: {  	[tilespmem:s18+$0x5600] =	vst v1;
	v1 =	vadd.s32 $0x29020C0, v0  }
0x3f: {  	[tilespmem:s18+$0x5800] =	vst v1;
	v1 =	vadd.s32 $0x29F6300, v0  }
0x40: {  	[tilespmem:s18+$0x5A00] =	vst v1;
	v1 =	vadd.s32 $0x2AEA540, v0  }
0x41: {  	[tilespmem:s18+$0x5C00] =	vst v1;
	v1 =	vadd.s32 $0x2BDE780, v0  }
0x42: {  	[tilespmem:s18+$0x5E00] =	vst v1;
	v1 =	vadd.s32 $0x2CD29C0, v0  }
0x43: {  	[tilespmem:s18+$0x6000] =	vst v1;
	v1 =	vadd.s32 $0x2DC6C00, v0  }
0x44: {  	[tilespmem:s18+$0x6200] =	vst v1;
	v1 =	vadd.s32 $0x2EBAE40, v0  }
0x45: {  	[tilespmem:s18+$0x6400] =	vst v1;
	v1 =	vadd.s32 $0x2FAF080, v0  }
0x46: {  	[tilespmem:s18+$0x6600] =	vst v1;
	v1 =	vadd.s32 $0x30A32C0, v0  }
0x47: {  	[tilespmem:s18+$0x6800] =	vst v1;
	v1 =	vadd.s32 $0x3197500, v0  }
0x48: {  	[tilespmem:s18+$0x6A00] =	vst v1;
	v1 =	vadd.s32 $0x328B740, v0  }
0x49: {  	[tilespmem:s18+$0x6C00] =	vst v1;
	v1 =	vadd.s32 $0x337F980, v0  }
0x4a: {  	[tilespmem:s18+$0x6E00] =	vst v1;
	v1 =	vadd.s32 $0x3473BC0, v0  }
0x4b: {  	[tilespmem:s18+$0x7000] =	vst v1;
	v1 =	vadd.s32 $0x3567E00, v0  }
0x4c: {  	[tilespmem:s18+$0x7200] =	vst v1;
	v1 =	vadd.s32 $0x365C040, v0  }
0x4d: {  	[tilespmem:s18+$0x7400] =	vst v1;
	v1 =	vadd.s32 $0x3750280, v0  }
0x4e: {  	[tilespmem:s18+$0x7600] =	vst v1;
	v1 =	vadd.s32 $0x38444C0, v0  }
0x4f: {  	[tilespmem:s18+$0x7800] =	vst v1;
	v1 =	vadd.s32 $0x3938700, v0  }
0x50: {  	[tilespmem:s18+$0x7A00] =	vst v1;
	v1 =	vadd.s32 $0x3A2C940, v0  }
0x51: {  	[tilespmem:s18+$0x7C00] =	vst v1;
	v1 =	vadd.s32 $0x3C14DC0, v0  }
0x52: {  	s19 =	simm.s32 $0x40;
	v0 =	vadd.s32 $0x3B20B80, v0;
	[tilespmem:s18+$0x8000] =	vst v1  }
.LBB2_2:
0x53: {  	p0 =	sne.s32 s19, $0x7C0;
	[tilespmem:s18+$0x7E00] =	vst v0;
	s18 =	sshra.s32 s19, $0x2;
	s19 =	sadd.s32 $0x40, s19  }
0x54: {  	v0 =	vld [tilespmem:s18+$0x0];
	_ =	sdelay $0x4  }
0x55: {  	[tilespmem:s18+$0x200] =	vst v0;
	v1 =	vadd.s32 $0xF4240, v0  }
0x56: {  	[tilespmem:s18+$0x400] =	vst v1;
	v1 =	vadd.s32 $0x1E8480, v0  }
0x57: {  	[tilespmem:s18+$0x600] =	vst v1;
	v1 =	vadd.s32 $0x2DC6C0, v0  }
0x58: {  	[tilespmem:s18+$0x800] =	vst v1;
	v1 =	vadd.s32 $0x3D0900, v0  }
0x59: {  	[tilespmem:s18+$0xA00] =	vst v1;
	v1 =	vadd.s32 $0x4C4B40, v0  }
0x5a: {  	[tilespmem:s18+$0xC00] =	vst v1;
	v1 =	vadd.s32 $0x5B8D80, v0  }
0x5b: {  	[tilespmem:s18+$0xE00] =	vst v1;
	v1 =	vadd.s32 $0x6ACFC0, v0  }
0x5c: {  	[tilespmem:s18+$0x1000] =	vst v1;
	v1 =	vadd.s32 $0x7A1200, v0  }
0x5d: {  	[tilespmem:s18+$0x1200] =	vst v1;
	v1 =	vadd.s32 $0x895440, v0  }
0x5e: {  	[tilespmem:s18+$0x1400] =	vst v1;
	v1 =	vadd.s32 $0x989680, v0  }
0x5f: {  	[tilespmem:s18+$0x1600] =	vst v1;
	v1 =	vadd.s32 $0xA7D8C0, v0  }
0x60: {  	[tilespmem:s18+$0x1800] =	vst v1;
	v1 =	vadd.s32 $0xB71B00, v0  }
0x61: {  	[tilespmem:s18+$0x1A00] =	vst v1;
	v1 =	vadd.s32 $0xC65D40, v0  }
0x62: {  	[tilespmem:s18+$0x1C00] =	vst v1;
	v1 =	vadd.s32 $0xD59F80, v0  }
0x63: {  	[tilespmem:s18+$0x1E00] =	vst v1;
	v1 =	vadd.s32 $0xE4E1C0, v0  }
0x64: {  	[tilespmem:s18+$0x2000] =	vst v1;
	v1 =	vadd.s32 $0xF42400, v0  }
0x65: {  	[tilespmem:s18+$0x2200] =	vst v1;
	v1 =	vadd.s32 $0x1036640, v0  }
0x66: {  	[tilespmem:s18+$0x2400] =	vst v1;
	v1 =	vadd.s32 $0x112A880, v0  }
0x67: {  	[tilespmem:s18+$0x2600] =	vst v1;
	v1 =	vadd.s32 $0x121EAC0, v0  }
0x68: {  	[tilespmem:s18+$0x2800] =	vst v1;
	v1 =	vadd.s32 $0x1312D00, v0  }
0x69: {  	[tilespmem:s18+$0x2A00] =	vst v1;
	v1 =	vadd.s32 $0x1406F40, v0  }
0x6a: {  	[tilespmem:s18+$0x2C00] =	vst v1;
	v1 =	vadd.s32 $0x14FB180, v0  }
0x6b: {  	[tilespmem:s18+$0x2E00] =	vst v1;
	v1 =	vadd.s32 $0x15EF3C0, v0  }
0x6c: {  	[tilespmem:s18+$0x3000] =	vst v1;
	v1 =	vadd.s32 $0x16E3600, v0  }
0x6d: {  	[tilespmem:s18+$0x3200] =	vst v1;
	v1 =	vadd.s32 $0x17D7840, v0  }
0x6e: {  	[tilespmem:s18+$0x3400] =	vst v1;
	v1 =	vadd.s32 $0x18CBA80, v0  }
0x6f: {  	[tilespmem:s18+$0x3600] =	vst v1;
	v1 =	vadd.s32 $0x19BFCC0, v0  }
0x70: {  	[tilespmem:s18+$0x3800] =	vst v1;
	v1 =	vadd.s32 $0x1AB3F00, v0  }
0x71: {  	[tilespmem:s18+$0x3A00] =	vst v1;
	v1 =	vadd.s32 $0x1BA8140, v0  }
0x72: {  	[tilespmem:s18+$0x3C00] =	vst v1;
	v1 =	vadd.s32 $0x1C9C380, v0  }
0x73: {  	[tilespmem:s18+$0x3E00] =	vst v1;
	v1 =	vadd.s32 $0x1D905C0, v0  }
0x74: {  	[tilespmem:s18+$0x4000] =	vst v1;
	v1 =	vadd.s32 $0x1E84800, v0  }
0x75: {  	[tilespmem:s18+$0x4200] =	vst v1;
	v1 =	vadd.s32 $0x1F78A40, v0  }
0x76: {  	[tilespmem:s18+$0x4400] =	vst v1;
	v1 =	vadd.s32 $0x206CC80, v0  }
0x77: {  	[tilespmem:s18+$0x4600] =	vst v1;
	v1 =	vadd.s32 $0x2160EC0, v0  }
0x78: {  	[tilespmem:s18+$0x4800] =	vst v1;
	v1 =	vadd.s32 $0x2255100, v0  }
0x79: {  	[tilespmem:s18+$0x4A00] =	vst v1;
	v1 =	vadd.s32 $0x2349340, v0  }
0x7a: {  	[tilespmem:s18+$0x4C00] =	vst v1;
	v1 =	vadd.s32 $0x243D580, v0  }
0x7b: {  	[tilespmem:s18+$0x4E00] =	vst v1;
	v1 =	vadd.s32 $0x25317C0, v0  }
0x7c: {  	[tilespmem:s18+$0x5000] =	vst v1;
	v1 =	vadd.s32 $0x2625A00, v0  }
0x7d: {  	[tilespmem:s18+$0x5200] =	vst v1;
	v1 =	vadd.s32 $0x2719C40, v0  }
0x7e: {  	[tilespmem:s18+$0x5400] =	vst v1;
	v1 =	vadd.s32 $0x280DE80, v0  }
0x7f: {  	[tilespmem:s18+$0x5600] =	vst v1;
	v1 =	vadd.s32 $0x29020C0, v0  }
0x80: {  	[tilespmem:s18+$0x5800] =	vst v1;
	v1 =	vadd.s32 $0x29F6300, v0  }
0x81: {  	[tilespmem:s18+$0x5A00] =	vst v1;
	v1 =	vadd.s32 $0x2AEA540, v0  }
0x82: {  	[tilespmem:s18+$0x5C00] =	vst v1;
	v1 =	vadd.s32 $0x2BDE780, v0  }
0x83: {  	[tilespmem:s18+$0x5E00] =	vst v1;
	v1 =	vadd.s32 $0x2CD29C0, v0  }
0x84: {  	[tilespmem:s18+$0x6000] =	vst v1;
	v1 =	vadd.s32 $0x2DC6C00, v0  }
0x85: {  	[tilespmem:s18+$0x6200] =	vst v1;
	v1 =	vadd.s32 $0x2EBAE40, v0  }
0x86: {  	[tilespmem:s18+$0x6400] =	vst v1;
	v1 =	vadd.s32 $0x2FAF080, v0  }
0x87: {  	[tilespmem:s18+$0x6600] =	vst v1;
	v1 =	vadd.s32 $0x30A32C0, v0  }
0x88: {  	[tilespmem:s18+$0x6800] =	vst v1;
	v1 =	vadd.s32 $0x3197500, v0  }
0x89: {  	[tilespmem:s18+$0x6A00] =	vst v1;
	v1 =	vadd.s32 $0x328B740, v0  }
0x8a: {  	[tilespmem:s18+$0x6C00] =	vst v1;
	v1 =	vadd.s32 $0x337F980, v0  }
0x8b: {  	[tilespmem:s18+$0x6E00] =	vst v1;
	v1 =	vadd.s32 $0x3473BC0, v0  }
0x8c: {  	[tilespmem:s18+$0x7000] =	vst v1;
	v1 =	vadd.s32 $0x3567E00, v0  }
0x8d: {  	[tilespmem:s18+$0x7200] =	vst v1;
	v1 =	vadd.s32 $0x365C040, v0  }
0x8e: {  	[tilespmem:s18+$0x7400] =	vst v1;
	v1 =	vadd.s32 $0x3750280, v0  }
.Ltmp0:
0x8f: {  	[tilespmem:s18+$0x7600] =	vst v1;
	v1 =	vadd.s32 $0x38444C0, v0;
	(pc) =	sbr.rel @p0 .LBB2_2-.Ltmp0, $4  }
0x90: {  	[tilespmem:s18+$0x7800] =	vst v1;
	v1 =	vadd.s32 $0x3938700, v0  }
0x91: {  	[tilespmem:s18+$0x7A00] =	vst v1;
	v1 =	vadd.s32 $0x3A2C940, v0  }
0x92: {  	[tilespmem:s18+$0x7C00] =	vst v1;
	v1 =	vadd.s32 $0x3C14DC0, v0  }
0x93: {  	v0 =	vadd.s32 $0x3B20B80, v0;
	[tilespmem:s18+$0x8000] =	vst v1  }
0x94: {  	[tilespmem:s18+$0x7E00] =	vst v0  }
0x95: {  	[tilespmem:s13], [sflag:$0x1] =	stream.indirect.gather [hbm4b:s3+s12], $0x1, s9, s12, $0xb8;
	[tilespmem:$0x18400] =	vst v63  }
0x96: {  	_ =	swait.ge [sflag:s14], $0x8000  }
0x97: {  	[sflag:s14] =	ssyncset.done $0x0  }
0x98: {  	[sflag:s14] =	ssyncadd.s32 $0xFFFF8000  }
0x99: {  	_ =	swait.ge [sflag:s15], $0x8000  }
0x9a: {  	[sflag:s15] =	ssyncset.done $0x0  }
0x9b: {  	s18 =	simm.s32 $0x0;
	[sflag:s15] =	ssyncadd.s32 $0xFFFF8000  }
0x9c: {  	v0 =	vld [tilespmem:s18+$0x8200]  }
0x9d: {  	v1 =	vld [tilespmem:s18+$0x10200]  }
0x9e: {  	v2 =	vld [tilespmem:s18+$0x8400]  }
0x9f: {  	v3 =	vld [tilespmem:s18+$0x10400]  }
0xa0: {  	v4 =	vld [tilespmem:s18+$0x8600]  }
0xa1: {  	v5 =	vld [tilespmem:s18+$0x10600]  }
0xa2: {  	v6 =	vld [tilespmem:s18+$0x10800];
	v0 =	vmul.f32 v1, v0  }
0xa3: {  	v1 =	vld [tilespmem:s18+$0x8800]  }
0xa4: {  	v7 =	vld [tilespmem:s18+$0x10A00];
	v2 =	vmul.f32 v3, v2;
	v0 =	vadd.f32 $0.0e+00, v0  }
0xa5: {  	v3 =	vld [tilespmem:s18+$0x8A00]  }
0xa6: {  	v0 =	vadd.f32 v2, v0;
	v2 =	vmul.f32 v5, v4;
	v4 =	vld [tilespmem:s18+$0x8C00]  }
0xa7: {  	v5 =	vld [tilespmem:s18+$0x10C00]  }
0xa8: {  	v1 =	vmul.f32 v6, v1;
	v6 =	vld [tilespmem:s18+$0x10E00];
	v0 =	vadd.f32 v2, v0  }
0xa9: {  	v2 =	vld [tilespmem:s18+$0x8E00]  }
0xaa: {  	v0 =	vadd.f32 v1, v0;
	v1 =	vmul.f32 v7, v3;
	v3 =	vld [tilespmem:s18+$0x9000]  }
0xab: {  	v7 =	vld [tilespmem:s18+$0x11000]  }
0xac: {  	v0 =	vadd.f32 v1, v0;
	v1 =	vmul.f32 v5, v4;
	v4 =	vld [tilespmem:s18+$0x9200]  }
0xad: {  	v5 =	vld [tilespmem:s18+$0x11200]  }
0xae: {  	v0 =	vadd.f32 v1, v0;
	v1 =	vmul.f32 v6, v2;
	v2 =	vld [tilespmem:s18+$0x9400]  }
0xaf: {  	v6 =	vld [tilespmem:s18+$0x11400]  }
0xb0: {  	v0 =	vadd.f32 v1, v0;
	v1 =	vmul.f32 v7, v3;
	v3 =	vld [tilespmem:s18+$0x9600]  }
0xb1: {  	v7 =	vld [tilespmem:s18+$0x11600]  }
0xb2: {  	v0 =	vadd.f32 v1, v0;
	v1 =	vmul.f32 v5, v4;
	v4 =	vld [tilespmem:s18+$0x9800]  }
0xb3: {  	v5 =	vld [tilespmem:s18+$0x11800]  }
0xb4: {  	v0 =	vadd.f32 v1, v0;
	v1 =	vmul.f32 v6, v2;
	v2 =	vld [tilespmem:s18+$0x9A00]  }
0xb5: {  	v6 =	vld [tilespmem:s18+$0x11A00]  }
0xb6: {  	v0 =	vadd.f32 v1, v0;
	v1 =	vmul.f32 v7, v3;
	v3 =	vld [tilespmem:s18+$0x9C00]  }
0xb7: {  	v7 =	vld [tilespmem:s18+$0x11C00]  }
0xb8: {  	v0 =	vadd.f32 v1, v0;
	v1 =	vmul.f32 v5, v4;
	v4 =	vld [tilespmem:s18+$0x9E00]  }
0xb9: {  	v5 =	vld [tilespmem:s18+$0x11E00]  }
0xba: {  	v0 =	vadd.f32 v1, v0;
	v1 =	vmul.f32 v6, v2;
	v2 =	vld [tilespmem:s18+$0xA000]  }
0xbb: {  	v6 =	vld [tilespmem:s18+$0x12000]  }
0xbc: {  	v0 =	vadd.f32 v1, v0;
	v1 =	vmul.f32 v7, v3;
	v3 =	vld [tilespmem:s18+$0xA200]  }
0xbd: {  	v7 =	vld [tilespmem:s18+$0x12200]  }
0xbe: {  	v0 =	vadd.f32 v1, v0;
	v1 =	vmul.f32 v5, v4;
	v4 =	vld [tilespmem:s18+$0xA400]  }
0xbf: {  	v5 =	vld [tilespmem:s18+$0x12400]  }
0xc0: {  	v0 =	vadd.f32 v1, v0;
	v1 =	vmul.f32 v6, v2;
	v2 =	vld [tilespmem:s18+$0xA600]  }
0xc1: {  	v6 =	vld [tilespmem:s18+$0x12600]  }
0xc2: {  	v0 =	vadd.f32 v1, v0;
	v1 =	vmul.f32 v7, v3;
	v3 =	vld [tilespmem:s18+$0xA800]  }
0xc3: {  	v7 =	vld [tilespmem:s18+$0x12800]  }
0xc4: {  	v0 =	vadd.f32 v1, v0;
	v1 =	vmul.f32 v5, v4;
	v4 =	vld [tilespmem:s18+$0xAA00]  }
0xc5: {  	v5 =	vld [tilespmem:s18+$0x12A00]  }
0xc6: {  	v0 =	vadd.f32 v1, v0;
	v1 =	vmul.f32 v6, v2;
	v2 =	vld [tilespmem:s18+$0xAC00]  }
0xc7: {  	v6 =	vld [tilespmem:s18+$0x12C00]  }
0xc8: {  	v0 =	vadd.f32 v1, v0;
	v1 =	vmul.f32 v7, v3;
	v3 =	vld [tilespmem:s18+$0xAE00]  }
0xc9: {  	v7 =	vld [tilespmem:s18+$0x12E00]  }
0xca: {  	v0 =	vadd.f32 v1, v0;
	v1 =	vmul.f32 v5, v4;
	v4 =	vld [tilespmem:s18+$0xB000]  }
0xcb: {  	v5 =	vld [tilespmem:s18+$0x13000]  }
0xcc: {  	v0 =	vadd.f32 v1, v0;
	v1 =	vmul.f32 v6, v2;
	v2 =	vld [tilespmem:s18+$0xB200]  }
0xcd: {  	v6 =	vld [tilespmem:s18+$0x13200]  }
0xce: {  	v0 =	vadd.f32 v1, v0;
	v1 =	vmul.f32 v7, v3;
	v3 =	vld [tilespmem:s18+$0xB400]  }
0xcf: {  	v7 =	vld [tilespmem:s18+$0x13400]  }
0xd0: {  	v0 =	vadd.f32 v1, v0;
	v1 =	vmul.f32 v5, v4;
	v4 =	vld [tilespmem:s18+$0xB600]  }
0xd1: {  	v5 =	vld [tilespmem:s18+$0x13600]  }
0xd2: {  	v0 =	vadd.f32 v1, v0;
	v1 =	vmul.f32 v6, v2;
	v2 =	vld [tilespmem:s18+$0xB800]  }
0xd3: {  	v6 =	vld [tilespmem:s18+$0x13800]  }
0xd4: {  	v0 =	vadd.f32 v1, v0;
	v1 =	vmul.f32 v7, v3;
	v3 =	vld [tilespmem:s18+$0xBA00]  }
0xd5: {  	v7 =	vld [tilespmem:s18+$0x13A00]  }
0xd6: {  	v0 =	vadd.f32 v1, v0;
	v1 =	vmul.f32 v5, v4;
	v4 =	vld [tilespmem:s18+$0xBC00]  }
0xd7: {  	v5 =	vld [tilespmem:s18+$0x13C00]  }
0xd8: {  	v0 =	vadd.f32 v1, v0;
	v1 =	vmul.f32 v6, v2;
	v2 =	vld [tilespmem:s18+$0xBE00]  }
0xd9: {  	v6 =	vld [tilespmem:s18+$0x13E00]  }
0xda: {  	v0 =	vadd.f32 v1, v0;
	v1 =	vmul.f32 v7, v3;
	v3 =	vld [tilespmem:s18+$0xC000]  }
0xdb: {  	v7 =	vld [tilespmem:s18+$0x14000]  }
0xdc: {  	v0 =	vadd.f32 v1, v0;
	v1 =	vmul.f32 v5, v4;
	v4 =	vld [tilespmem:s18+$0xC200]  }
0xdd: {  	v5 =	vld [tilespmem:s18+$0x14200]  }
0xde: {  	v0 =	vadd.f32 v1, v0;
	v1 =	vmul.f32 v6, v2;
	v2 =	vld [tilespmem:s18+$0xC400]  }
0xdf: {  	v6 =	vld [tilespmem:s18+$0x14400]  }
0xe0: {  	v0 =	vadd.f32 v1, v0;
	v1 =	vmul.f32 v7, v3;
	v3 =	vld [tilespmem:s18+$0xC600]  }
0xe1: {  	v7 =	vld [tilespmem:s18+$0x14600]  }
0xe2: {  	v0 =	vadd.f32 v1, v0;
	v1 =	vmul.f32 v5, v4;
	v4 =	vld [tilespmem:s18+$0xC800]  }
0xe3: {  	v5 =	vld [tilespmem:s18+$0x14800]  }
0xe4: {  	v0 =	vadd.f32 v1, v0;
	v1 =	vmul.f32 v6, v2;
	v2 =	vld [tilespmem:s18+$0xCA00]  }
0xe5: {  	v6 =	vld [tilespmem:s18+$0x14A00]  }
0xe6: {  	v0 =	vadd.f32 v1, v0;
	v1 =	vmul.f32 v7, v3;
	v3 =	vld [tilespmem:s18+$0xCC00]  }
0xe7: {  	v7 =	vld [tilespmem:s18+$0x14C00]  }
0xe8: {  	v0 =	vadd.f32 v1, v0;
	v1 =	vmul.f32 v5, v4;
	v4 =	vld [tilespmem:s18+$0xCE00]  }
0xe9: {  	v5 =	vld [tilespmem:s18+$0x14E00]  }
0xea: {  	v0 =	vadd.f32 v1, v0;
	v1 =	vmul.f32 v6, v2;
	v2 =	vld [tilespmem:s18+$0xD000]  }
0xeb: {  	v6 =	vld [tilespmem:s18+$0x15000]  }
0xec: {  	v0 =	vadd.f32 v1, v0;
	v1 =	vmul.f32 v7, v3;
	v3 =	vld [tilespmem:s18+$0xD200]  }
0xed: {  	v7 =	vld [tilespmem:s18+$0x15200]  }
0xee: {  	v0 =	vadd.f32 v1, v0;
	v1 =	vmul.f32 v5, v4;
	v4 =	vld [tilespmem:s18+$0xD400]  }
0xef: {  	v5 =	vld [tilespmem:s18+$0x15400]  }
0xf0: {  	v0 =	vadd.f32 v1, v0;
	v1 =	vmul.f32 v6, v2;
	v2 =	vld [tilespmem:s18+$0xD600]  }
0xf1: {  	v6 =	vld [tilespmem:s18+$0x15600]  }
0xf2: {  	v0 =	vadd.f32 v1, v0;
	v1 =	vmul.f32 v7, v3;
	v3 =	vld [tilespmem:s18+$0xD800]  }
0xf3: {  	v7 =	vld [tilespmem:s18+$0x15800]  }
0xf4: {  	v0 =	vadd.f32 v1, v0;
	v1 =	vmul.f32 v5, v4;
	v4 =	vld [tilespmem:s18+$0xDA00]  }
0xf5: {  	v5 =	vld [tilespmem:s18+$0x15A00]  }
0xf6: {  	v0 =	vadd.f32 v1, v0;
	v1 =	vmul.f32 v6, v2;
	v2 =	vld [tilespmem:s18+$0xDC00]  }
0xf7: {  	v6 =	vld [tilespmem:s18+$0x15C00]  }
0xf8: {  	v0 =	vadd.f32 v1, v0;
	v1 =	vmul.f32 v7, v3;
	v3 =	vld [tilespmem:s18+$0xDE00]  }
0xf9: {  	v7 =	vld [tilespmem:s18+$0x15E00]  }
0xfa: {  	v0 =	vadd.f32 v1, v0;
	v1 =	vmul.f32 v5, v4;
	v4 =	vld [tilespmem:s18+$0xE000]  }
0xfb: {  	v5 =	vld [tilespmem:s18+$0x16000]  }
0xfc: {  	v0 =	vadd.f32 v1, v0;
	v1 =	vmul.f32 v6, v2;
	v2 =	vld [tilespmem:s18+$0xE200]  }
0xfd: {  	v6 =	vld [tilespmem:s18+$0x16200]  }
0xfe: {  	v0 =	vadd.f32 v1, v0;
	v1 =	vmul.f32 v7, v3;
	v3 =	vld [tilespmem:s18+$0xE400]  }
0xff: {  	v7 =	vld [tilespmem:s18+$0x16400]  }
0x100: {  	v0 =	vadd.f32 v1, v0;
	v1 =	vmul.f32 v5, v4;
	v4 =	vld [tilespmem:s18+$0xE600]  }
0x101: {  	v5 =	vld [tilespmem:s18+$0x16600]  }
0x102: {  	v0 =	vadd.f32 v1, v0;
	v1 =	vmul.f32 v6, v2;
	v2 =	vld [tilespmem:s18+$0xE800]  }
0x103: {  	v6 =	vld [tilespmem:s18+$0x16800]  }
0x104: {  	v0 =	vadd.f32 v1, v0;
	v1 =	vmul.f32 v7, v3;
	v3 =	vld [tilespmem:s18+$0xEA00]  }
0x105: {  	v7 =	vld [tilespmem:s18+$0x16A00]  }
0x106: {  	v0 =	vadd.f32 v1, v0;
	v1 =	vmul.f32 v5, v4;
	v4 =	vld [tilespmem:s18+$0xEC00]  }
0x107: {  	v5 =	vld [tilespmem:s18+$0x16C00]  }
0x108: {  	v0 =	vadd.f32 v1, v0;
	v1 =	vmul.f32 v6, v2;
	v2 =	vld [tilespmem:s18+$0xEE00]  }
0x109: {  	v6 =	vld [tilespmem:s18+$0x16E00]  }
0x10a: {  	v0 =	vadd.f32 v1, v0;
	v1 =	vmul.f32 v7, v3;
	v3 =	vld [tilespmem:s18+$0xF000]  }
0x10b: {  	v7 =	vld [tilespmem:s18+$0x17000]  }
0x10c: {  	v0 =	vadd.f32 v1, v0;
	v1 =	vmul.f32 v5, v4;
	v4 =	vld [tilespmem:s18+$0xF200]  }
0x10d: {  	v5 =	vld [tilespmem:s18+$0x17200]  }
0x10e: {  	v0 =	vadd.f32 v1, v0;
	v1 =	vmul.f32 v6, v2;
	v2 =	vld [tilespmem:s18+$0xF400]  }
0x10f: {  	v6 =	vld [tilespmem:s18+$0x17400]  }
0x110: {  	v0 =	vadd.f32 v1, v0;
	v1 =	vmul.f32 v7, v3;
	v3 =	vld [tilespmem:s18+$0xF600]  }
0x111: {  	v7 =	vld [tilespmem:s18+$0x17600]  }
0x112: {  	v0 =	vadd.f32 v1, v0;
	v1 =	vmul.f32 v5, v4;
	v4 =	vld [tilespmem:s18+$0xF800]  }
0x113: {  	v5 =	vld [tilespmem:s18+$0x17800]  }
0x114: {  	v0 =	vadd.f32 v1, v0;
	v1 =	vmul.f32 v6, v2;
	v2 =	vld [tilespmem:s18+$0xFA00]  }
0x115: {  	v6 =	vld [tilespmem:s18+$0x17A00]  }
0x116: {  	v8 =	vld [tilespmem:s18+$0x17C00];
	v0 =	vadd.f32 v1, v0;
	v1 =	vmul.f32 v7, v3  }
0x117: {  	v7 =	vld [tilespmem:s18+$0xFC00]  }
0x118: {  	v3 =	vld [tilespmem:s18+$0x17E00];
	v4 =	vmul.f32 v5, v4;
	v1 =	vadd.f32 v1, v0  }
0x119: {  	v0 =	vld [tilespmem:s18+$0xFE00]  }
0x11a: {  	v6 =	vmul.f32 v6, v2;
	v5 =	vadd.f32 v4, v1;
	v1 =	vld [tilespmem:s18+$0x10000]  }
0x11b: {  	s20 =	simm.s32 $0x10;
	v4 =	vld [tilespmem:s18+$0x18000]  }
0x11c: {  	s19 =	simm.s32 $0x80;
	v2 =	vld [tilespmem:s20+$0x8200];
	v5 =	vadd.f32 v6, v5;
	v6 =	vmul.f32 v8, v7  }
.LBB2_4:
0x11d: {  	p0 =	sne.s32 s19, $0x7C0;
	v7 =	vld [tilespmem:s20+$0x10200]  }
0x11e: {  	v8 =	vld [tilespmem:s20+$0x8400];
	v5 =	vadd.f32 v6, v5;
	v0 =	vmul.f32 v3, v0  }
0x11f: {  	v3 =	vld [tilespmem:s20+$0x10400]  }
0x120: {  	v6 =	vld [tilespmem:s20+$0x8600];
	v0 =	vadd.f32 v0, v5;
	v1 =	vmul.f32 v4, v1  }
0x121: {  	v4 =	vld [tilespmem:s20+$0x10600]  }
0x122: {  	v2 =	vmul.f32 v7, v2;
	v5 =	vld [tilespmem:s20+$0x8800];
	v0 =	vadd.f32 v1, v0  }
0x123: {  	v1 =	vld [tilespmem:s20+$0x10800]  }
0x124: {  	v2 =	vadd.f32 $0.0e+00, v2;
	v3 =	vmul.f32 v3, v8;
	v7 =	vld [tilespmem:s20+$0x8A00];
	[tilespmem:s18+$0x18200] =	vst v0;
	s18 =	smov.u32 s20  }
0x125: {  	v0 =	vld [tilespmem:s18+$0x10A00]  }
0x126: {  	v2 =	vadd.f32 v3, v2;
	v3 =	vmul.f32 v4, v6;
	v4 =	vld [tilespmem:s18+$0x8C00]  }
0x127: {  	v6 =	vld [tilespmem:s18+$0x10C00]  }
0x128: {  	v2 =	vadd.f32 v3, v2;
	v1 =	vmul.f32 v1, v5;
	v3 =	vld [tilespmem:s18+$0x8E00]  }
0x129: {  	v5 =	vld [tilespmem:s18+$0x10E00]  }
0x12a: {  	v1 =	vadd.f32 v1, v2;
	v0 =	vmul.f32 v0, v7;
	v2 =	vld [tilespmem:s18+$0x9000]  }
0x12b: {  	v7 =	vld [tilespmem:s18+$0x11000]  }
0x12c: {  	v0 =	vadd.f32 v0, v1;
	v1 =	vmul.f32 v6, v4;
	v4 =	vld [tilespmem:s18+$0x9200]  }
0x12d: {  	v6 =	vld [tilespmem:s18+$0x11200]  }
0x12e: {  	v0 =	vadd.f32 v1, v0;
	v1 =	vmul.f32 v5, v3;
	v3 =	vld [tilespmem:s18+$0x9400]  }
0x12f: {  	v5 =	vld [tilespmem:s18+$0x11400]  }
0x130: {  	v0 =	vadd.f32 v1, v0;
	v1 =	vmul.f32 v7, v2;
	v2 =	vld [tilespmem:s18+$0x9600]  }
0x131: {  	v7 =	vld [tilespmem:s18+$0x11600]  }
0x132: {  	v0 =	vadd.f32 v1, v0;
	v1 =	vmul.f32 v6, v4;
	v4 =	vld [tilespmem:s18+$0x9800]  }
0x133: {  	v6 =	vld [tilespmem:s18+$0x11800]  }
0x134: {  	v0 =	vadd.f32 v1, v0;
	v1 =	vmul.f32 v5, v3;
	v3 =	vld [tilespmem:s18+$0x9A00]  }
0x135: {  	v5 =	vld [tilespmem:s18+$0x11A00]  }
0x136: {  	v0 =	vadd.f32 v1, v0;
	v1 =	vmul.f32 v7, v2;
	v2 =	vld [tilespmem:s18+$0x9C00]  }
0x137: {  	v7 =	vld [tilespmem:s18+$0x11C00]  }
0x138: {  	v0 =	vadd.f32 v1, v0;
	v1 =	vmul.f32 v6, v4;
	v4 =	vld [tilespmem:s18+$0x9E00]  }
0x139: {  	v6 =	vld [tilespmem:s18+$0x11E00]  }
0x13a: {  	v0 =	vadd.f32 v1, v0;
	v1 =	vmul.f32 v5, v3;
	v3 =	vld [tilespmem:s18+$0xA000]  }
0x13b: {  	v5 =	vld [tilespmem:s18+$0x12000]  }
0x13c: {  	v0 =	vadd.f32 v1, v0;
	v1 =	vmul.f32 v7, v2;
	v2 =	vld [tilespmem:s18+$0xA200]  }
0x13d: {  	v7 =	vld [tilespmem:s18+$0x12200]  }
0x13e: {  	v0 =	vadd.f32 v1, v0;
	v1 =	vmul.f32 v6, v4;
	v4 =	vld [tilespmem:s18+$0xA400]  }
0x13f: {  	v6 =	vld [tilespmem:s18+$0x12400]  }
0x140: {  	v0 =	vadd.f32 v1, v0;
	v1 =	vmul.f32 v5, v3;
	v3 =	vld [tilespmem:s18+$0xA600]  }
0x141: {  	v5 =	vld [tilespmem:s18+$0x12600]  }
0x142: {  	v0 =	vadd.f32 v1, v0;
	v1 =	vmul.f32 v7, v2;
	v2 =	vld [tilespmem:s18+$0xA800]  }
0x143: {  	v7 =	vld [tilespmem:s18+$0x12800]  }
0x144: {  	v0 =	vadd.f32 v1, v0;
	v1 =	vmul.f32 v6, v4;
	v4 =	vld [tilespmem:s18+$0xAA00]  }
0x145: {  	v6 =	vld [tilespmem:s18+$0x12A00]  }
0x146: {  	v0 =	vadd.f32 v1, v0;
	v1 =	vmul.f32 v5, v3;
	v3 =	vld [tilespmem:s18+$0xAC00]  }
0x147: {  	v5 =	vld [tilespmem:s18+$0x12C00]  }
0x148: {  	v0 =	vadd.f32 v1, v0;
	v1 =	vmul.f32 v7, v2;
	v2 =	vld [tilespmem:s18+$0xAE00]  }
0x149: {  	v7 =	vld [tilespmem:s18+$0x12E00]  }
0x14a: {  	v0 =	vadd.f32 v1, v0;
	v1 =	vmul.f32 v6, v4;
	v4 =	vld [tilespmem:s18+$0xB000]  }
0x14b: {  	v6 =	vld [tilespmem:s18+$0x13000]  }
0x14c: {  	v0 =	vadd.f32 v1, v0;
	v1 =	vmul.f32 v5, v3;
	v3 =	vld [tilespmem:s18+$0xB200]  }
0x14d: {  	v5 =	vld [tilespmem:s18+$0x13200]  }
0x14e: {  	v0 =	vadd.f32 v1, v0;
	v1 =	vmul.f32 v7, v2;
	v2 =	vld [tilespmem:s18+$0xB400]  }
0x14f: {  	v7 =	vld [tilespmem:s18+$0x13400]  }
0x150: {  	v0 =	vadd.f32 v1, v0;
	v1 =	vmul.f32 v6, v4;
	v4 =	vld [tilespmem:s18+$0xB600]  }
0x151: {  	v6 =	vld [tilespmem:s18+$0x13600]  }
0x152: {  	v0 =	vadd.f32 v1, v0;
	v1 =	vmul.f32 v5, v3;
	v3 =	vld [tilespmem:s18+$0xB800]  }
0x153: {  	v5 =	vld [tilespmem:s18+$0x13800]  }
0x154: {  	v0 =	vadd.f32 v1, v0;
	v1 =	vmul.f32 v7, v2;
	v2 =	vld [tilespmem:s18+$0xBA00]  }
0x155: {  	v7 =	vld [tilespmem:s18+$0x13A00]  }
0x156: {  	v0 =	vadd.f32 v1, v0;
	v1 =	vmul.f32 v6, v4;
	v4 =	vld [tilespmem:s18+$0xBC00]  }
0x157: {  	v6 =	vld [tilespmem:s18+$0x13C00]  }
0x158: {  	v0 =	vadd.f32 v1, v0;
	v1 =	vmul.f32 v5, v3;
	v3 =	vld [tilespmem:s18+$0xBE00]  }
0x159: {  	v5 =	vld [tilespmem:s18+$0x13E00]  }
0x15a: {  	v0 =	vadd.f32 v1, v0;
	v1 =	vmul.f32 v7, v2;
	v2 =	vld [tilespmem:s18+$0xC000]  }
0x15b: {  	v7 =	vld [tilespmem:s18+$0x14000]  }
0x15c: {  	v0 =	vadd.f32 v1, v0;
	v1 =	vmul.f32 v6, v4;
	v4 =	vld [tilespmem:s18+$0xC200]  }
0x15d: {  	v6 =	vld [tilespmem:s18+$0x14200]  }
0x15e: {  	v0 =	vadd.f32 v1, v0;
	v1 =	vmul.f32 v5, v3;
	v3 =	vld [tilespmem:s18+$0xC400]  }
0x15f: {  	v5 =	vld [tilespmem:s18+$0x14400]  }
0x160: {  	v0 =	vadd.f32 v1, v0;
	v1 =	vmul.f32 v7, v2;
	v2 =	vld [tilespmem:s18+$0xC600]  }
0x161: {  	v7 =	vld [tilespmem:s18+$0x14600]  }
0x162: {  	v0 =	vadd.f32 v1, v0;
	v1 =	vmul.f32 v6, v4;
	v4 =	vld [tilespmem:s18+$0xC800]  }
0x163: {  	v6 =	vld [tilespmem:s18+$0x14800]  }
0x164: {  	v0 =	vadd.f32 v1, v0;
	v1 =	vmul.f32 v5, v3;
	v3 =	vld [tilespmem:s18+$0xCA00]  }
0x165: {  	v5 =	vld [tilespmem:s18+$0x14A00]  }
0x166: {  	v0 =	vadd.f32 v1, v0;
	v1 =	vmul.f32 v7, v2;
	v2 =	vld [tilespmem:s18+$0xCC00]  }
0x167: {  	v7 =	vld [tilespmem:s18+$0x14C00]  }
0x168: {  	v0 =	vadd.f32 v1, v0;
	v1 =	vmul.f32 v6, v4;
	v4 =	vld [tilespmem:s18+$0xCE00]  }
0x169: {  	v6 =	vld [tilespmem:s18+$0x14E00]  }
0x16a: {  	v0 =	vadd.f32 v1, v0;
	v1 =	vmul.f32 v5, v3;
	v3 =	vld [tilespmem:s18+$0xD000]  }
0x16b: {  	v5 =	vld [tilespmem:s18+$0x15000]  }
0x16c: {  	v0 =	vadd.f32 v1, v0;
	v1 =	vmul.f32 v7, v2;
	v2 =	vld [tilespmem:s18+$0xD200]  }
0x16d: {  	v7 =	vld [tilespmem:s18+$0x15200]  }
0x16e: {  	v0 =	vadd.f32 v1, v0;
	v1 =	vmul.f32 v6, v4;
	v4 =	vld [tilespmem:s18+$0xD400]  }
0x16f: {  	v6 =	vld [tilespmem:s18+$0x15400]  }
0x170: {  	v0 =	vadd.f32 v1, v0;
	v1 =	vmul.f32 v5, v3;
	v3 =	vld [tilespmem:s18+$0xD600]  }
0x171: {  	v5 =	vld [tilespmem:s18+$0x15600]  }
0x172: {  	v0 =	vadd.f32 v1, v0;
	v1 =	vmul.f32 v7, v2;
	v2 =	vld [tilespmem:s18+$0xD800]  }
0x173: {  	v7 =	vld [tilespmem:s18+$0x15800]  }
0x174: {  	v0 =	vadd.f32 v1, v0;
	v1 =	vmul.f32 v6, v4;
	v4 =	vld [tilespmem:s18+$0xDA00]  }
0x175: {  	v6 =	vld [tilespmem:s18+$0x15A00]  }
0x176: {  	v0 =	vadd.f32 v1, v0;
	v1 =	vmul.f32 v5, v3;
	v3 =	vld [tilespmem:s18+$0xDC00]  }
0x177: {  	v5 =	vld [tilespmem:s18+$0x15C00]  }
0x178: {  	v0 =	vadd.f32 v1, v0;
	v1 =	vmul.f32 v7, v2;
	v2 =	vld [tilespmem:s18+$0xDE00]  }
0x179: {  	v7 =	vld [tilespmem:s18+$0x15E00]  }
0x17a: {  	v0 =	vadd.f32 v1, v0;
	v1 =	vmul.f32 v6, v4;
	v4 =	vld [tilespmem:s18+$0xE000]  }
0x17b: {  	v6 =	vld [tilespmem:s18+$0x16000]  }
0x17c: {  	v0 =	vadd.f32 v1, v0;
	v1 =	vmul.f32 v5, v3;
	v3 =	vld [tilespmem:s18+$0xE200]  }
0x17d: {  	v5 =	vld [tilespmem:s18+$0x16200]  }
0x17e: {  	v0 =	vadd.f32 v1, v0;
	v1 =	vmul.f32 v7, v2;
	v2 =	vld [tilespmem:s18+$0xE400]  }
0x17f: {  	v7 =	vld [tilespmem:s18+$0x16400]  }
0x180: {  	v0 =	vadd.f32 v1, v0;
	v1 =	vmul.f32 v6, v4;
	v4 =	vld [tilespmem:s18+$0xE600]  }
0x181: {  	v6 =	vld [tilespmem:s18+$0x16600]  }
0x182: {  	v0 =	vadd.f32 v1, v0;
	v1 =	vmul.f32 v5, v3;
	v3 =	vld [tilespmem:s18+$0xE800]  }
0x183: {  	v5 =	vld [tilespmem:s18+$0x16800]  }
0x184: {  	v0 =	vadd.f32 v1, v0;
	v1 =	vmul.f32 v7, v2;
	v2 =	vld [tilespmem:s18+$0xEA00]  }
0x185: {  	v7 =	vld [tilespmem:s18+$0x16A00]  }
0x186: {  	v0 =	vadd.f32 v1, v0;
	v1 =	vmul.f32 v6, v4;
	v4 =	vld [tilespmem:s18+$0xEC00]  }
0x187: {  	v6 =	vld [tilespmem:s18+$0x16C00]  }
0x188: {  	v0 =	vadd.f32 v1, v0;
	v1 =	vmul.f32 v5, v3;
	v3 =	vld [tilespmem:s18+$0xEE00]  }
0x189: {  	v5 =	vld [tilespmem:s18+$0x16E00]  }
0x18a: {  	v0 =	vadd.f32 v1, v0;
	v1 =	vmul.f32 v7, v2;
	v2 =	vld [tilespmem:s18+$0xF000]  }
0x18b: {  	v7 =	vld [tilespmem:s18+$0x17000]  }
0x18c: {  	v0 =	vadd.f32 v1, v0;
	v1 =	vmul.f32 v6, v4;
	v4 =	vld [tilespmem:s18+$0xF200]  }
0x18d: {  	v6 =	vld [tilespmem:s18+$0x17200]  }
0x18e: {  	v0 =	vadd.f32 v1, v0;
	v1 =	vmul.f32 v5, v3;
	v3 =	vld [tilespmem:s18+$0xF400]  }
0x18f: {  	v5 =	vld [tilespmem:s18+$0x17400]  }
0x190: {  	v0 =	vadd.f32 v1, v0;
	v1 =	vmul.f32 v7, v2;
	v2 =	vld [tilespmem:s18+$0xF600]  }
0x191: {  	v7 =	vld [tilespmem:s18+$0x17600]  }
0x192: {  	v0 =	vadd.f32 v1, v0;
	v1 =	vmul.f32 v6, v4;
	v4 =	vld [tilespmem:s18+$0xF800]  }
0x193: {  	v6 =	vld [tilespmem:s18+$0x17800]  }
0x194: {  	v0 =	vadd.f32 v1, v0;
	v1 =	vmul.f32 v5, v3;
	v5 =	vld [tilespmem:s18+$0xFA00]  }
0x195: {  	v8 =	vld [tilespmem:s18+$0x17A00]  }
0x196: {  	v0 =	vadd.f32 v1, v0;
	v1 =	vmul.f32 v7, v2;
	v7 =	vld [tilespmem:s18+$0xFC00]  }
0x197: {  	v9 =	vld [tilespmem:s18+$0x17C00]  }
.Ltmp1:
0x198: {  	v1 =	vadd.f32 v1, v0;
	v2 =	vmul.f32 v6, v4;
	v0 =	vld [tilespmem:s18+$0xFE00];
	(pc) =	sbr.rel @p0 .LBB2_4-.Ltmp1, $4  }
0x199: {  	v3 =	vld [tilespmem:s18+$0x17E00]  }
0x19a: {  	v6 =	vadd.f32 v2, v1;
	v5 =	vmul.f32 v8, v5;
	v1 =	vld [tilespmem:s18+$0x10000]  }
0x19b: {  	s20 =	sshra.s32 s19, $0x2;
	v4 =	vld [tilespmem:s18+$0x18000]  }
0x19c: {  	s19 =	sadd.s32 $0x40, s19;
	v2 =	vld [tilespmem:s20+$0x8200];
	v5 =	vadd.f32 v5, v6;
	v6 =	vmul.f32 v9, v7  }
0x19d: {  	v7 =	vld [tilespmem:s20+$0x10200]  }
0x19e: {  	v8 =	vld [tilespmem:s20+$0x8400];
	v5 =	vadd.f32 v6, v5;
	v0 =	vmul.f32 v3, v0  }
0x19f: {  	v45 =	vld [tilespmem:s20+$0x10400]  }
0x1a0: {  	v46 =	vld [tilespmem:s20+$0x8600];
	v0 =	vadd.f32 v0, v5;
	v1 =	vmul.f32 v4, v1  }
0x1a1: {  	v47 =	vld [tilespmem:s20+$0x10600]  }
0x1a2: {  	v48 =	vld [tilespmem:s20+$0x8800];
	v2 =	vmul.f32 v7, v2;
	v0 =	vadd.f32 v1, v0  }
0x1a3: {  	v49 =	vld [tilespmem:s20+$0x10800]  }
0x1a4: {  	v50 =	vld [tilespmem:s20+$0x8A00];
	v3 =	vmul.f32 v45, v8;
	v2 =	vadd.f32 $0.0e+00, v2;
	[tilespmem:s18+$0x18200] =	vst v0  }
0x1a5: {  	v0 =	vld [tilespmem:s20+$0x10A00]  }
0x1a6: {  	v51 =	vmul.f32 v47, v46;
	v52 =	vld [tilespmem:s20+$0x8C00];
	v2 =	vadd.f32 v3, v2  }
0x1a7: {  	v53 =	vld [tilespmem:s20+$0x10C00]  }
0x1a8: {  	v1 =	vmul.f32 v49, v48;
	v54 =	vld [tilespmem:s20+$0x8E00];
	v2 =	vadd.f32 v51, v2  }
0x1a9: {  	v55 =	vld [tilespmem:s20+$0x10E00]  }
0x1aa: {  	v56 =	vld [tilespmem:s20+$0x9000];
	v1 =	vadd.f32 v1, v2;
	v0 =	vmul.f32 v0, v50  }
0x1ab: {  	v57 =	vld [tilespmem:s20+$0x11000]  }
0x1ac: {  	v59 =	vld [tilespmem:s20+$0x9200];
	v58 =	vmul.f32 v53, v52;
	v0 =	vadd.f32 v0, v1  }
0x1ad: {  	v60 =	vld [tilespmem:s20+$0x11200]  }
0x1ae: {  	v62 =	vld [tilespmem:s20+$0x9400];
	v61 =	vmul.f32 v55, v54;
	v0 =	vadd.f32 v58, v0  }
0x1af: {  	v63 =	vld [tilespmem:s20+$0x11400]  }
0x1b0: {  	v10 =	vld [tilespmem:s20+$0x9600];
	v9 =	vmul.f32 v57, v56;
	v0 =	vadd.f32 v61, v0  }
0x1b1: {  	v11 =	vld [tilespmem:s20+$0x11600]  }
0x1b2: {  	v13 =	vld [tilespmem:s20+$0x9800];
	v12 =	vmul.f32 v60, v59;
	v0 =	vadd.f32 v9, v0  }
0x1b3: {  	v14 =	vld [tilespmem:s20+$0x11800]  }
0x1b4: {  	v16 =	vld [tilespmem:s20+$0x9A00];
	v15 =	vmul.f32 v63, v62;
	v0 =	vadd.f32 v12, v0  }
0x1b5: {  	v17 =	vld [tilespmem:s20+$0x11A00]  }
0x1b6: {  	v19 =	vld [tilespmem:s20+$0x9C00];
	v18 =	vmul.f32 v11, v10;
	v0 =	vadd.f32 v15, v0  }
0x1b7: {  	v20 =	vld [tilespmem:s20+$0x11C00]  }
0x1b8: {  	v22 =	vld [tilespmem:s20+$0x9E00];
	v21 =	vmul.f32 v14, v13;
	v0 =	vadd.f32 v18, v0  }
0x1b9: {  	v23 =	vld [tilespmem:s20+$0x11E00]  }
0x1ba: {  	v25 =	vld [tilespmem:s20+$0xA000];
	v24 =	vmul.f32 v17, v16;
	v0 =	vadd.f32 v21, v0  }
0x1bb: {  	v26 =	vld [tilespmem:s20+$0x12000]  }
0x1bc: {  	v28 =	vld [tilespmem:s20+$0xA200];
	v27 =	vmul.f32 v20, v19;
	v0 =	vadd.f32 v24, v0  }
0x1bd: {  	v29 =	vld [tilespmem:s20+$0x12200]  }
0x1be: {  	v31 =	vld [tilespmem:s20+$0xA400];
	v30 =	vmul.f32 v23, v22;
	v0 =	vadd.f32 v27, v0  }
0x1bf: {  	v32 =	vld [tilespmem:s20+$0x12400]  }
0x1c0: {  	v34 =	vld [tilespmem:s20+$0xA600];
	v33 =	vmul.f32 v26, v25;
	v0 =	vadd.f32 v30, v0  }
0x1c1: {  	v35 =	vld [tilespmem:s20+$0x12600]  }
0x1c2: {  	v37 =	vld [tilespmem:s20+$0xA800];
	v36 =	vmul.f32 v29, v28;
	v0 =	vadd.f32 v33, v0  }
0x1c3: {  	v38 =	vld [tilespmem:s20+$0x12800]  }
0x1c4: {  	v40 =	vld [tilespmem:s20+$0xAA00];
	v39 =	vmul.f32 v32, v31;
	v0 =	vadd.f32 v36, v0  }
0x1c5: {  	v41 =	vld [tilespmem:s20+$0x12A00]  }
0x1c6: {  	v43 =	vld [tilespmem:s20+$0xAC00];
	v42 =	vmul.f32 v35, v34;
	v0 =	vadd.f32 v39, v0  }
0x1c7: {  	v44 =	vld [tilespmem:s20+$0x12C00]  }
0x1c8: {  	v46 =	vld [tilespmem:s20+$0xAE00];
	v45 =	vmul.f32 v38, v37;
	v0 =	vadd.f32 v42, v0  }
0x1c9: {  	v47 =	vld [tilespmem:s20+$0x12E00]  }
0x1ca: {  	v49 =	vld [tilespmem:s20+$0xB000];
	v48 =	vmul.f32 v41, v40;
	v0 =	vadd.f32 v45, v0  }
0x1cb: {  	v50 =	vld [tilespmem:s20+$0x13000]  }
0x1cc: {  	v51 =	vmul.f32 v44, v43;
	v52 =	vld [tilespmem:s20+$0xB200];
	v0 =	vadd.f32 v48, v0  }
0x1cd: {  	v53 =	vld [tilespmem:s20+$0x13200]  }
0x1ce: {  	v54 =	vmul.f32 v47, v46;
	v55 =	vld [tilespmem:s20+$0xB400];
	v0 =	vadd.f32 v51, v0  }
0x1cf: {  	v56 =	vld [tilespmem:s20+$0x13400]  }
0x1d0: {  	v59 =	vld [tilespmem:s20+$0x13600];
	v57 =	vmul.f32 v50, v49;
	v0 =	vadd.f32 v54, v0  }
0x1d1: {  	v58 =	vld [tilespmem:s20+$0xB600]  }
0x1d2: {  	v62 =	vld [tilespmem:s20+$0x13800];
	v60 =	vmul.f32 v53, v52;
	v0 =	vadd.f32 v57, v0  }
0x1d3: {  	v61 =	vld [tilespmem:s20+$0xB800]  }
0x1d4: {  	v10 =	vld [tilespmem:s20+$0x13A00];
	v63 =	vmul.f32 v56, v55;
	v0 =	vadd.f32 v60, v0  }
0x1d5: {  	v9 =	vld [tilespmem:s20+$0xBA00]  }
0x1d6: {  	v13 =	vld [tilespmem:s20+$0x13C00];
	v11 =	vmul.f32 v59, v58;
	v0 =	vadd.f32 v63, v0  }
0x1d7: {  	v12 =	vld [tilespmem:s20+$0xBC00]  }
0x1d8: {  	v16 =	vld [tilespmem:s20+$0x13E00];
	v14 =	vmul.f32 v62, v61;
	v0 =	vadd.f32 v11, v0  }
0x1d9: {  	v15 =	vld [tilespmem:s20+$0xBE00]  }
0x1da: {  	v19 =	vld [tilespmem:s20+$0x14000];
	v17 =	vmul.f32 v10, v9;
	v0 =	vadd.f32 v14, v0  }
0x1db: {  	v18 =	vld [tilespmem:s20+$0xC000]  }
0x1dc: {  	v22 =	vld [tilespmem:s20+$0x14200];
	v20 =	vmul.f32 v13, v12;
	v0 =	vadd.f32 v17, v0  }
0x1dd: {  	v21 =	vld [tilespmem:s20+$0xC200]  }
0x1de: {  	v25 =	vld [tilespmem:s20+$0x14400];
	v23 =	vmul.f32 v16, v15;
	v0 =	vadd.f32 v20, v0  }
0x1df: {  	v24 =	vld [tilespmem:s20+$0xC400]  }
0x1e0: {  	v28 =	vld [tilespmem:s20+$0x14600];
	v26 =	vmul.f32 v19, v18;
	v0 =	vadd.f32 v23, v0  }
0x1e1: {  	v27 =	vld [tilespmem:s20+$0xC600]  }
0x1e2: {  	v31 =	vld [tilespmem:s20+$0x14800];
	v29 =	vmul.f32 v22, v21;
	v0 =	vadd.f32 v26, v0  }
0x1e3: {  	v30 =	vld [tilespmem:s20+$0xC800]  }
0x1e4: {  	v34 =	vld [tilespmem:s20+$0x14A00];
	v32 =	vmul.f32 v25, v24;
	v0 =	vadd.f32 v29, v0  }
0x1e5: {  	v33 =	vld [tilespmem:s20+$0xCA00]  }
0x1e6: {  	v37 =	vld [tilespmem:s20+$0x14C00];
	v35 =	vmul.f32 v28, v27;
	v0 =	vadd.f32 v32, v0  }
0x1e7: {  	v36 =	vld [tilespmem:s20+$0xCC00]  }
0x1e8: {  	v40 =	vld [tilespmem:s20+$0x14E00];
	v38 =	vmul.f32 v31, v30;
	v0 =	vadd.f32 v35, v0  }
0x1e9: {  	v39 =	vld [tilespmem:s20+$0xCE00]  }
0x1ea: {  	v43 =	vld [tilespmem:s20+$0x15000];
	v41 =	vmul.f32 v34, v33;
	v0 =	vadd.f32 v38, v0  }
0x1eb: {  	v42 =	vld [tilespmem:s20+$0xD000]  }
0x1ec: {  	v46 =	vld [tilespmem:s20+$0x15200];
	v44 =	vmul.f32 v37, v36;
	v0 =	vadd.f32 v41, v0  }
0x1ed: {  	v45 =	vld [tilespmem:s20+$0xD200]  }
0x1ee: {  	v49 =	vld [tilespmem:s20+$0x15400];
	v47 =	vmul.f32 v40, v39;
	v0 =	vadd.f32 v44, v0  }
0x1ef: {  	v48 =	vld [tilespmem:s20+$0xD400]  }
0x1f0: {  	v52 =	vld [tilespmem:s20+$0x15600];
	v50 =	vmul.f32 v43, v42;
	v0 =	vadd.f32 v47, v0  }
0x1f1: {  	v51 =	vld [tilespmem:s20+$0xD600]  }
0x1f2: {  	v55 =	vld [tilespmem:s20+$0x15800];
	v53 =	vmul.f32 v46, v45;
	v0 =	vadd.f32 v50, v0  }
0x1f3: {  	v54 =	vld [tilespmem:s20+$0xD800]  }
0x1f4: {  	v58 =	vld [tilespmem:s20+$0x15A00];
	v56 =	vmul.f32 v49, v48;
	v0 =	vadd.f32 v53, v0  }
0x1f5: {  	v57 =	vld [tilespmem:s20+$0xDA00]  }
0x1f6: {  	v61 =	vld [tilespmem:s20+$0x15C00];
	v59 =	vmul.f32 v52, v51;
	v0 =	vadd.f32 v56, v0  }
0x1f7: {  	v60 =	vld [tilespmem:s20+$0xDC00]  }
0x1f8: {  	v9 =	vld [tilespmem:s20+$0x15E00];
	v62 =	vmul.f32 v55, v54;
	v0 =	vadd.f32 v59, v0  }
0x1f9: {  	v63 =	vld [tilespmem:s20+$0xDE00]  }
0x1fa: {  	v12 =	vld [tilespmem:s20+$0x16000];
	v10 =	vmul.f32 v58, v57;
	v0 =	vadd.f32 v62, v0  }
0x1fb: {  	v11 =	vld [tilespmem:s20+$0xE000]  }
0x1fc: {  	v15 =	vld [tilespmem:s20+$0x16200];
	v13 =	vmul.f32 v61, v60;
	v0 =	vadd.f32 v10, v0  }
0x1fd: {  	v14 =	vld [tilespmem:s20+$0xE200]  }
0x1fe: {  	v18 =	vld [tilespmem:s20+$0x16400];
	v16 =	vmul.f32 v9, v63;
	v0 =	vadd.f32 v13, v0  }
0x1ff: {  	v17 =	vld [tilespmem:s20+$0xE400]  }
0x200: {  	v21 =	vld [tilespmem:s20+$0x16600];
	v19 =	vmul.f32 v12, v11;
	v0 =	vadd.f32 v16, v0  }
0x201: {  	v20 =	vld [tilespmem:s20+$0xE600]  }
0x202: {  	v24 =	vld [tilespmem:s20+$0x16800];
	v22 =	vmul.f32 v15, v14;
	v0 =	vadd.f32 v19, v0  }
0x203: {  	v23 =	vld [tilespmem:s20+$0xE800]  }
0x204: {  	v27 =	vld [tilespmem:s20+$0x16A00];
	v25 =	vmul.f32 v18, v17;
	v0 =	vadd.f32 v22, v0  }
0x205: {  	v26 =	vld [tilespmem:s20+$0xEA00]  }
0x206: {  	v30 =	vld [tilespmem:s20+$0x16C00];
	v28 =	vmul.f32 v21, v20;
	v0 =	vadd.f32 v25, v0  }
0x207: {  	v29 =	vld [tilespmem:s20+$0xEC00]  }
0x208: {  	v33 =	vld [tilespmem:s20+$0x16E00];
	v31 =	vmul.f32 v24, v23;
	v0 =	vadd.f32 v28, v0  }
0x209: {  	v32 =	vld [tilespmem:s20+$0xEE00]  }
0x20a: {  	v36 =	vld [tilespmem:s20+$0x17000];
	v34 =	vmul.f32 v27, v26;
	v0 =	vadd.f32 v31, v0  }
0x20b: {  	v35 =	vld [tilespmem:s20+$0xF000]  }
0x20c: {  	v39 =	vld [tilespmem:s20+$0x17200];
	v37 =	vmul.f32 v30, v29;
	v0 =	vadd.f32 v34, v0  }
0x20d: {  	v38 =	vld [tilespmem:s20+$0xF200]  }
0x20e: {  	v42 =	vld [tilespmem:s20+$0x17400];
	v40 =	vmul.f32 v33, v32;
	v0 =	vadd.f32 v37, v0  }
0x20f: {  	v41 =	vld [tilespmem:s20+$0xF400]  }
0x210: {  	v45 =	vld [tilespmem:s20+$0x17600];
	v43 =	vmul.f32 v36, v35;
	v0 =	vadd.f32 v40, v0  }
0x211: {  	v44 =	vld [tilespmem:s20+$0xF600]  }
0x212: {  	v48 =	vld [tilespmem:s20+$0x17800];
	v46 =	vmul.f32 v39, v38;
	v0 =	vadd.f32 v43, v0  }
0x213: {  	v47 =	vld [tilespmem:s20+$0xF800]  }
0x214: {  	v51 =	vld [tilespmem:s20+$0x17A00];
	v49 =	vmul.f32 v42, v41;
	v0 =	vadd.f32 v46, v0  }
0x215: {  	v50 =	vld [tilespmem:s20+$0xFA00]  }
0x216: {  	v54 =	vld [tilespmem:s20+$0x17C00];
	v52 =	vmul.f32 v45, v44;
	v0 =	vadd.f32 v49, v0  }
0x217: {  	v53 =	vld [tilespmem:s20+$0xFC00]  }
0x218: {  	v57 =	vld [tilespmem:s20+$0x17E00];
	v55 =	vmul.f32 v48, v47;
	v0 =	vadd.f32 v52, v0  }
0x219: {  	v56 =	vld [tilespmem:s20+$0xFE00]  }
0x21a: {  	v60 =	vld [tilespmem:s20+$0x18000];
	v58 =	vmul.f32 v51, v50;
	v0 =	vadd.f32 v55, v0  }
0x21b: {  	v59 =	vld [tilespmem:s20+$0x10000]  }
0x21c: {  	v61 =	vmul.f32 v54, v53;
	v0 =	vadd.f32 v58, v0;
	_ =	sdelay $0x1  }
0x21d: {  	v62 =	vmul.f32 v57, v56;
	v0 =	vadd.f32 v61, v0;
	_ =	sdelay $0x1  }
0x21e: {  	v63 =	vmul.f32 v60, v59;
	v0 =	vadd.f32 v62, v0;
	_ =	sdelay $0x1  }
0x21f: {  	s17 =	sadd.s32 $0x1, s17;
	v0 =	vadd.f32 v63, v0  }
0x220: {  	p0 =	sne.s32 s17, s7  }
.Ltmp2:
0x221: {  	[tilespmem:s20+$0x18200] =	vst v0;
	(pc) =	sbr.rel @p0 .LBB2_1-.Ltmp2, $4  }
0x222: {  	[hbm4b:s6+s2] =	stream.linear.scatter [tilespmem:s16], [sflag:$0x3], $0x200, $0x38;
	[tilespmem:$0x18400] =	vst v63  }
0x223: {  	_ =	swait.ge [sflag:s8], $0x200  }
0x224: {  	[sflag:s8] =	ssyncset.done $0x0  }
0x225: {  	[sflag:s8] =	ssyncadd.s32 $0xFFFFFE00  }
0x226: {  	_ =	sfence.sel $0x180000  }
0x227: {  	[bflag:$0x0] =	sbarrier.arrive $0xFFFF  }
0x228: {  	p0 =	sne.s32 s1, $0x0;
	_ =	strace $0x90000047  }
0x229: {  	s0 =	sadd.s32 @!p0 $0x100000, s0;
	[bflag:$0x2] =	sbarrier.arrive $0xFFFF  }
0x22a: {  	[sflag:s0] =	ssyncadd.tile.s32 @!p0 $0x1;
	_ =	shalt  }
.Lfunc_end2:
_tile_overlayer_lowered:
.L_overlay_start_2:
0x22b: {  	(tag) =	ssettag $0x2  }
0x22c: {  	s0 =	rddreg [dreg:$0x0];
	s2 =	stileid.u32  }
0x22d: {  	s1 =	rddreg [dreg:$0x1];
	p0 =	sne.s32 s2, $0x0  }
0x22e: {  	s3 =	rddreg [dreg:$0x2];
	[bflag:$0x3] =	sbarrier.arrive $0xFFFF;
	s2 =	simm.s32 @!p0 $0x1C03  }
0x22f: {  	[timem:s3], [sflag:s2] =	dma.local @!p0 [hbm:s0], s1  }
0x230: {  	s0 =	simm.s32 @!p0 $0x3  }
0x231: {  	_ =	swait.ge @!p0 [sflag:s0], s1  }
0x232: {  	s1 =	ssub.s32 @!p0 $0x0, s1;
	[sflag:s0] =	ssyncset.done @!p0 $0x0  }
0x233: {  	[sflag:s0] =	ssyncadd.s32 @!p0 s1  }
0x234: {  	[bflag:$0x3] =	sbarrier.arrive $0xFFFF  }
0x235: {  	_ =	shalt  }

</sc_bundles>
